<compile_context>
chip_gen: v7x
topology: tpu7x:2x2x1
jax: 0.10.2.dev20260603
libtpu: 0.0.44.dev20260713+nightly
codegen_flags: <defaults>
</compile_context>

<pallas_src>
import functools

import jax
import jax.numpy as jnp
from jax import lax
from jax.experimental import pallas as pl
from jax.experimental.pallas import tpu as pltpu
from jax.experimental.pallas import tpu_sc as plsc

NC = 2
NS = 16
NW = NC * NS
LK = 128
BN = 1024


@functools.cache
def _make_sc_agg(n_pad: int, h_dim: int, ch: int):
    rpt = n_pad // NS
    zr = 32

    mesh = plsc.VectorSubcoreMesh(core_axis_name="c", subcore_axis_name="s",
                                  num_cores=NC, num_subcores=NS)

    @functools.partial(
        pl.kernel,
        out_type=jax.ShapeDtypeStruct((NC * n_pad, h_dim), jnp.float32),
        mesh=mesh,
        scratch_types=[
            pltpu.VMEM((ch, LK), jnp.int32),
            pltpu.VMEM((ch, LK), jnp.int32),
            pltpu.VMEM((LK, h_dim), jnp.float32),
            pltpu.VMEM((zr, h_dim), jnp.float32),
            pltpu.VMEM_SHARED((n_pad, h_dim), jnp.float32),
            pltpu.SemaphoreType.DMA,
        ],
    )
    def sc_agg(hr_hbm, src_hbm, dst_hbm, out_hbm,
               src_v, dst_v, rows_v, zero_v, agg_sh, sem):
        c = lax.axis_index("c")
        s = lax.axis_index("s")
        w = c * NS + s

        zvec = jnp.zeros((16,), jnp.float32)

        def zrow(i, carry):
            for j in range(h_dim // 16):
                zero_v[i, pl.ds(j * 16, 16)] = zvec
            return carry

        lax.fori_loop(0, zr, zrow, 0)

        def zcopy(k, carry):
            pltpu.sync_copy(zero_v, agg_sh.at[pl.ds(s * rpt + k * zr, zr)])
            return carry

        lax.fori_loop(0, rpt // zr, zcopy, 0)

        pltpu.sync_copy(src_hbm.at[w], src_v)
        pltpu.sync_copy(dst_hbm.at[w], dst_v)
        plsc.subcore_barrier()

        def body(j, carry):
            pltpu.async_copy(hr_hbm.at[src_v.at[j]], rows_v, sem).wait()
            pltpu.sync_copy(rows_v, agg_sh.at[dst_v.at[j]], add=True)
            return carry

        lax.fori_loop(0, ch, body, 0)
        plsc.subcore_barrier()

        pltpu.sync_copy(agg_sh.at[pl.ds(s * rpt, rpt)],
                        out_hbm.at[pl.ds(c * n_pad + s * rpt, rpt)])

    return sc_agg


def _tc_proj(h, wrel, wroot, b):
    n_pad, d = h.shape
    hd = wrel.shape[1]
    grid = n_pad // BN

    def body(h_ref, wrel_ref, wroot_ref, b_ref, hr_ref, hroot_ref):
        hb = h_ref[...]
        hr_ref[...] = jnp.dot(hb, wrel_ref[...],
                              preferred_element_type=jnp.float32)
        hroot_ref[...] = jnp.dot(hb, wroot_ref[...],
                                 preferred_element_type=jnp.float32) + b_ref[...]

    return pl.pallas_call(
        body,
        grid=(grid,),
        in_specs=[
            pl.BlockSpec((BN, d), lambda i: (i, 0)),
            pl.BlockSpec((d, hd), lambda i: (0, 0)),
            pl.BlockSpec((d, hd), lambda i: (0, 0)),
            pl.BlockSpec((1, hd), lambda i: (0, 0)),
        ],
        out_specs=[
            pl.BlockSpec((BN, hd), lambda i: (i, 0)),
            pl.BlockSpec((BN, hd), lambda i: (i, 0)),
        ],
        out_shape=[jax.ShapeDtypeStruct((n_pad, hd), jnp.float32)] * 2,
    )(h, wrel, wroot, b.reshape(1, hd))


def _tc_combine_proj(agg, root_prev, wrel, wroot, b):
    n2, hd = agg.shape
    n_pad = n2 // NC
    grid = n_pad // BN

    def body(a0_ref, a1_ref, root_ref, wrel_ref, wroot_ref, b_ref,
             hr_ref, hroot_ref):
        hb = jnp.maximum(a0_ref[...] + a1_ref[...] + root_ref[...], 0.0)
        hr_ref[...] = jnp.dot(hb, wrel_ref[...],
                              preferred_element_type=jnp.float32)
        hroot_ref[...] = jnp.dot(hb, wroot_ref[...],
                                 preferred_element_type=jnp.float32) + b_ref[...]

    return pl.pallas_call(
        body,
        grid=(grid,),
        in_specs=[
            pl.BlockSpec((BN, hd), lambda i: (i, 0)),
            pl.BlockSpec((BN, hd), lambda i: (i + grid, 0)),
            pl.BlockSpec((BN, hd), lambda i: (i, 0)),
            pl.BlockSpec((hd, hd), lambda i: (0, 0)),
            pl.BlockSpec((hd, hd), lambda i: (0, 0)),
            pl.BlockSpec((1, hd), lambda i: (0, 0)),
        ],
        out_specs=[
            pl.BlockSpec((BN, hd), lambda i: (i, 0)),
            pl.BlockSpec((BN, hd), lambda i: (i, 0)),
        ],
        out_shape=[jax.ShapeDtypeStruct((n_pad, hd), jnp.float32)] * 2,
    )(agg, agg, root_prev, wrel, wroot, b.reshape(1, hd))


def _tc_final(agg, root_prev, batch3d, wl, bl, g: int):
    n2, hd = agg.shape
    n_pad = n2 // NC
    grid = n_pad // BN
    c_dim = wl.shape[1]

    def body(a0_ref, a1_ref, root_ref, batch_ref, wl_ref, bl_ref,
             pooled_ref, out_ref, sums_ref, cnt_ref):
        i = pl.program_id(0)

        @pl.when(i == 0)
        def _init():
            sums_ref[...] = jnp.zeros_like(sums_ref)
            cnt_ref[...] = jnp.zeros_like(cnt_ref)

        h3 = a0_ref[...] + a1_ref[...] + root_ref[...]
        bvec = batch_ref[0]
        pt = (lax.broadcasted_iota(jnp.int32, (g, 1), 0) == bvec
              ).astype(jnp.float32)
        sums_ref[...] += jnp.dot(pt, h3, preferred_element_type=jnp.float32)
        cnt_ref[...] += jnp.broadcast_to(
            jnp.sum(pt, axis=1, keepdims=True), cnt_ref.shape)

        @pl.when(i == grid - 1)
        def _fin():
            pooled = sums_ref[...] / jnp.maximum(cnt_ref[...], 1.0)
            pooled_ref[...] = pooled
            out_ref[...] = jnp.dot(pooled, wl_ref[...],
                                   preferred_element_type=jnp.float32) + bl_ref[...]

    return pl.pallas_call(
        body,
        grid=(grid,),
        in_specs=[
            pl.BlockSpec((BN, hd), lambda i: (i, 0)),
            pl.BlockSpec((BN, hd), lambda i: (i + grid, 0)),
            pl.BlockSpec((BN, hd), lambda i: (i, 0)),
            pl.BlockSpec((1, 1, BN), lambda i: (i, 0, 0)),
            pl.BlockSpec((hd, c_dim), lambda i: (0, 0)),
            pl.BlockSpec((1, c_dim), lambda i: (0, 0)),
        ],
        out_specs=[
            pl.BlockSpec((g, hd), lambda i: (0, 0)),
            pl.BlockSpec((g, c_dim), lambda i: (0, 0)),
        ],
        out_shape=[
            jax.ShapeDtypeStruct((g, hd), jnp.float32),
            jax.ShapeDtypeStruct((g, c_dim), jnp.float32),
        ],
        scratch_shapes=[
            pltpu.VMEM((g, hd), jnp.float32),
            pltpu.VMEM((g, hd), jnp.float32),
        ],
    )(agg, agg, root_prev, batch3d, wl, bl.reshape(1, c_dim))


def kernel(x, edge_index, batch, W1_rel, W1_root, b1, W2_rel, W2_root, b2,
           W3_rel, W3_root, b3, Wl, bl):
    n, d = x.shape
    h_dim = W1_rel.shape[1]
    e = edge_index.shape[1]
    g = 64

    n_pad = ((n + BN) // BN) * BN
    ch = -(-e // (NW * LK))
    e_pad = NW * LK * ch

    x_p = jnp.zeros((n_pad, d), x.dtype).at[:n].set(x)
    pad_e = jnp.full((e_pad - e,), n, jnp.int32)
    src_p = jnp.concatenate([edge_index[0], pad_e]).reshape(NW, ch, LK)
    dst_p = jnp.concatenate([edge_index[1], pad_e]).reshape(NW, ch, LK)
    batch_p = jnp.concatenate(
        [batch.astype(jnp.int32), jnp.full((n_pad - n,), g, jnp.int32)]
    ).reshape(n_pad // BN, 1, BN)

    sc_agg = _make_sc_agg(n_pad, h_dim, ch)

    xr, xroot = _tc_proj(x_p, W1_rel, W1_root, b1)
    agg1 = sc_agg(xr, src_p, dst_p)
    h1r, h1root = _tc_combine_proj(agg1, xroot, W2_rel, W2_root, b2)
    agg2 = sc_agg(h1r, src_p, dst_p)
    h2r, h2root = _tc_combine_proj(agg2, h1root, W3_rel, W3_root, b3)
    agg3 = sc_agg(h2r, src_p, dst_p)
    pooled, out = _tc_final(agg3, h2root, batch_p, Wl, bl, g)
    return (pooled, out)

# --- scband reference (transcript-rebuilt; emitter-appended) ---
"""Pipeline reference for scband-gc-gnn-drop-block-5841155523230 (READ-ONLY COPY).

The authoritative reference and input builder live on the scoring server;
editing this copy changes nothing except your own understanding.
"""

import jax, jax.numpy as jnp
import numpy as np

N = 10000
E = 320000
D = 128
H = 128
C = 10
G = 64


def setup_inputs(seed: int = 0) -> dict:
    key = jax.random.key(seed)
    ks = jax.random.split(key, 16)
    x = jax.random.normal(ks[0], (N, D), dtype=jnp.float32)
    edge_index = jax.random.randint(ks[1], (2, E), 0, N, dtype=jnp.int32)
    batch = jnp.sort(jax.random.randint(ks[2], (N,), 0, G, dtype=jnp.int32))
    s_in = 1.0 / np.sqrt(D)
    s_h = 1.0 / np.sqrt(H)
    W1_rel = jax.random.normal(ks[3], (D, H), dtype=jnp.float32) * s_in
    W1_root = jax.random.normal(ks[4], (D, H), dtype=jnp.float32) * s_in
    b1 = jnp.zeros((H,), dtype=jnp.float32)
    W2_rel = jax.random.normal(ks[5], (H, H), dtype=jnp.float32) * s_h
    W2_root = jax.random.normal(ks[6], (H, H), dtype=jnp.float32) * s_h
    b2 = jnp.zeros((H,), dtype=jnp.float32)
    W3_rel = jax.random.normal(ks[7], (H, H), dtype=jnp.float32) * s_h
    W3_root = jax.random.normal(ks[8], (H, H), dtype=jnp.float32) * s_h
    b3 = jnp.zeros((H,), dtype=jnp.float32)
    Wl = jax.random.normal(ks[9], (H, C), dtype=jnp.float32) * s_h
    bl = jnp.zeros((C,), dtype=jnp.float32)
    return {"x": x, "edge_index": edge_index, "batch": batch,
            "W1_rel": W1_rel, "W1_root": W1_root, "b1": b1,
            "W2_rel": W2_rel, "W2_root": W2_root, "b2": b2,
            "W3_rel": W3_rel, "W3_root": W3_root, "b3": b3,
            "Wl": Wl, "bl": bl}


def reference(x, edge_index, batch, W1_rel, W1_root, b1, W2_rel, W2_root, b2, W3_rel, W3_root, b3, Wl, bl):
    # Eval-mode forward: DropBlock and dropout are inactive (self.training == False).
    src = edge_index[0]
    dst = edge_index[1]

    def graph_conv(h, Wrel, Wroot, b):
        # PyG GraphConv(aggr='add'): out = lin_rel(sum_{j in N(i)} x_j) + lin_root(x_i)
        msgs = h[src]  # gather source-node features per edge
        agg = jax.ops.segment_sum(msgs, dst, num_segments=N)  # scatter-add to dst
        return agg @ Wrel + b + h @ Wroot

    h = jax.nn.relu(graph_conv(x, W1_rel, W1_root, b1))
    h = jax.nn.relu(graph_conv(h, W2_rel, W2_root, b2))
    h = graph_conv(h, W3_rel, W3_root, b3)
    # global_mean_pool
    sums = jax.ops.segment_sum(h, batch, num_segments=G)
    cnt = jax.ops.segment_sum(jnp.ones((N,), dtype=jnp.float32), batch, num_segments=G)
    pooled = sums / jnp.maximum(cnt, 1.0)[:, None]
    out = pooled @ Wl + bl
    return (pooled, out)

if __name__ == "__main__":
    import jax
    _d = setup_inputs()
    print(jax.jit(kernel)(*tuple(_d.values())))

</pallas_src>

<mosaic_0001>
#map = affine_map<(d0, d1) -> (0, 0)>
#map1 = affine_map<(d0, d1) -> (0, 0, 0)>
module attributes {stable_mosaic.version = 14 : i64} {
  func.func @sc_agg(%arg0: i32, %arg1: i32, %arg2: memref<10240x128xf32, #tpu.memory_space<hbm>>, %arg3: memref<32x79x128xi32, #tpu.memory_space<hbm>>, %arg4: memref<32x79x128xi32, #tpu.memory_space<hbm>>, %arg5: memref<20480x128xf32, #tpu.memory_space<hbm>>, %arg6: memref<79x128xi32, #tpu.memory_space<vmem>>, %arg7: memref<79x128xi32, #tpu.memory_space<vmem>>, %arg8: memref<128x128xf32, #tpu.memory_space<vmem>>, %arg9: memref<32x128xf32, #tpu.memory_space<vmem>>, %arg10: memref<10240x128xf32, #tpu.memory_space<vmem_shared>>, %arg11: memref<!tpu.dma_semaphore, #tpu.memory_space<semaphore_mem>>) attributes {dimension_semantics = [#tpu.dimension_semantics<core_parallel>, #tpu.dimension_semantics<subcore_parallel>], iteration_bounds = array<i64: 2, 16>, scalar_prefetch = 0 : i64, scratch_operands = 6 : i64, tpu.core_type = #tpu.core_type<sc_vector_subcore>, window_params = [{transform_indices = #map}, {transform_indices = #map1}, {transform_indices = #map1}, {transform_indices = #map}]} {
    %mul3A = arith.constant 16 : i32
    %mul3A_0 = arith.muli %arg0, %mul3A : i32
    %add3A = arith.addi %mul3A_0, %arg1 : i32
    %broadcast_in_dim3A = arith.constant 0.000000e+00 : f32
    %broadcast_in_dim3A_1 = vector.broadcast %broadcast_in_dim3A : f32 to vector<16xf32>
    %scan3A = arith.constant 0 : i32
    %scan3A_2 = arith.constant 0 : i32
    %scan3A_3 = arith.constant 32 : i32
    %scan3A_4 = arith.addi %scan3A_2, %scan3A_3 : i32
    %scan3A_5 = arith.constant 1 : i32
    scf.for %scan3A_27 = %scan3A_2 to %scan3A_4 step %scan3A_5  : i32 {
      %swap3A = arith.index_cast %scan3A_27 : i32 to index
      %swap3A_28 = arith.constant 0 : index
      %swap3A_29 = tpu.vector_load %arg9[%swap3A, %swap3A_28] {strides = array<i32>} : memref<32x128xf32, #tpu.memory_space<vmem>>, vector<1x16xf32>,
      %swap3A_30 = vector.shape_cast %swap3A_29 : vector<1x16xf32> to vector<16xf32>
      %swap3A_31 = vector.shape_cast %broadcast_in_dim3A_1 : vector<16xf32> to vector<1x16xf32>
      tpu.vector_store %arg9[%swap3A, %swap3A_28], %swap3A_31 {strides = array<i32>} : memref<32x128xf32, #tpu.memory_space<vmem>>, vector<1x16xf32>,
      %swap3A_32 = arith.index_cast %scan3A_27 : i32 to index
      %swap3A_33 = arith.constant 16 : index
      %swap3A_34 = tpu.vector_load %arg9[%swap3A_32, %swap3A_33] {strides = array<i32>} : memref<32x128xf32, #tpu.memory_space<vmem>>, vector<1x16xf32>,
      %swap3A_35 = vector.shape_cast %swap3A_34 : vector<1x16xf32> to vector<16xf32>
      %swap3A_36 = vector.shape_cast %broadcast_in_dim3A_1 : vector<16xf32> to vector<1x16xf32>
      tpu.vector_store %arg9[%swap3A_32, %swap3A_33], %swap3A_36 {strides = array<i32>} : memref<32x128xf32, #tpu.memory_space<vmem>>, vector<1x16xf32>,
      %swap3A_37 = arith.index_cast %scan3A_27 : i32 to index
      %swap3A_38 = arith.constant 32 : index
      %swap3A_39 = tpu.vector_load %arg9[%swap3A_37, %swap3A_38] {strides = array<i32>} : memref<32x128xf32, #tpu.memory_space<vmem>>, vector<1x16xf32>,
      %swap3A_40 = vector.shape_cast %swap3A_39 : vector<1x16xf32> to vector<16xf32>
      %swap3A_41 = vector.shape_cast %broadcast_in_dim3A_1 : vector<16xf32> to vector<1x16xf32>
      tpu.vector_store %arg9[%swap3A_37, %swap3A_38], %swap3A_41 {strides = array<i32>} : memref<32x128xf32, #tpu.memory_space<vmem>>, vector<1x16xf32>,
      %swap3A_42 = arith.index_cast %scan3A_27 : i32 to index
      %swap3A_43 = arith.constant 48 : index
      %swap3A_44 = tpu.vector_load %arg9[%swap3A_42, %swap3A_43] {strides = array<i32>} : memref<32x128xf32, #tpu.memory_space<vmem>>, vector<1x16xf32>,
      %swap3A_45 = vector.shape_cast %swap3A_44 : vector<1x16xf32> to vector<16xf32>
      %swap3A_46 = vector.shape_cast %broadcast_in_dim3A_1 : vector<16xf32> to vector<1x16xf32>
      tpu.vector_store %arg9[%swap3A_42, %swap3A_43], %swap3A_46 {strides = array<i32>} : memref<32x128xf32, #tpu.memory_space<vmem>>, vector<1x16xf32>,
      %swap3A_47 = arith.index_cast %scan3A_27 : i32 to index
      %swap3A_48 = arith.constant 64 : index
      %swap3A_49 = tpu.vector_load %arg9[%swap3A_47, %swap3A_48] {strides = array<i32>} : memref<32x128xf32, #tpu.memory_space<vmem>>, vector<1x16xf32>,
      %swap3A_50 = vector.shape_cast %swap3A_49 : vector<1x16xf32> to vector<16xf32>
      %swap3A_51 = vector.shape_cast %broadcast_in_dim3A_1 : vector<16xf32> to vector<1x16xf32>
      tpu.vector_store %arg9[%swap3A_47, %swap3A_48], %swap3A_51 {strides = array<i32>} : memref<32x128xf32, #tpu.memory_space<vmem>>, vector<1x16xf32>,
      %swap3A_52 = arith.index_cast %scan3A_27 : i32 to index
      %swap3A_53 = arith.constant 80 : index
      %swap3A_54 = tpu.vector_load %arg9[%swap3A_52, %swap3A_53] {strides = array<i32>} : memref<32x128xf32, #tpu.memory_space<vmem>>, vector<1x16xf32>,
      %swap3A_55 = vector.shape_cast %swap3A_54 : vector<1x16xf32> to vector<16xf32>
      %swap3A_56 = vector.shape_cast %broadcast_in_dim3A_1 : vector<16xf32> to vector<1x16xf32>
      tpu.vector_store %arg9[%swap3A_52, %swap3A_53], %swap3A_56 {strides = array<i32>} : memref<32x128xf32, #tpu.memory_space<vmem>>, vector<1x16xf32>,
      %swap3A_57 = arith.index_cast %scan3A_27 : i32 to index
      %swap3A_58 = arith.constant 96 : index
      %swap3A_59 = tpu.vector_load %arg9[%swap3A_57, %swap3A_58] {strides = array<i32>} : memref<32x128xf32, #tpu.memory_space<vmem>>, vector<1x16xf32>,
      %swap3A_60 = vector.shape_cast %swap3A_59 : vector<1x16xf32> to vector<16xf32>
      %swap3A_61 = vector.shape_cast %broadcast_in_dim3A_1 : vector<16xf32> to vector<1x16xf32>
      tpu.vector_store %arg9[%swap3A_57, %swap3A_58], %swap3A_61 {strides = array<i32>} : memref<32x128xf32, #tpu.memory_space<vmem>>, vector<1x16xf32>,
      %swap3A_62 = arith.index_cast %scan3A_27 : i32 to index
      %swap3A_63 = arith.constant 112 : index
      %swap3A_64 = tpu.vector_load %arg9[%swap3A_62, %swap3A_63] {strides = array<i32>} : memref<32x128xf32, #tpu.memory_space<vmem>>, vector<1x16xf32>,
      %swap3A_65 = vector.shape_cast %swap3A_64 : vector<1x16xf32> to vector<16xf32>
      %swap3A_66 = vector.shape_cast %broadcast_in_dim3A_1 : vector<16xf32> to vector<1x16xf32>
      tpu.vector_store %arg9[%swap3A_62, %swap3A_63], %swap3A_66 {strides = array<i32>} : memref<32x128xf32, #tpu.memory_space<vmem>>, vector<1x16xf32>,
    }
    %scan3A_6 = arith.constant 32 : i32
    %scan3A_7 = arith.constant 0 : i32
    %scan3A_8 = arith.constant 0 : i32
    %scan3A_9 = arith.constant 20 : i32
    %scan3A_10 = arith.addi %scan3A_8, %scan3A_9 : i32
    %scan3A_11 = arith.constant 1 : i32
    scf.for %scan3A_27 = %scan3A_8 to %scan3A_10 step %scan3A_11  : i32 {
      %mul3A_28 = arith.constant 640 : i32
      %mul3A_29 = arith.muli %arg1, %mul3A_28 : i32
      %mul3A_30 = arith.constant 32 : i32
      %mul3A_31 = arith.muli %scan3A_27, %mul3A_30 : i32
      %add3A_32 = arith.addi %mul3A_29, %mul3A_31 : i32
      "tpu.region"() ({
        %run_scoped3A = tpu.sem_alloc : memref<!tpu.dma_semaphore, #tpu.memory_space<semaphore_mem>>
        %dma_start3A = arith.constant 0 : i32
        %dma_start3A_33 = tpu.memref_slice %arg10[%add3A_32, %dma_start3A] : memref<10240x128xf32, #tpu.memory_space<vmem_shared>> -> memref<32x128xf32, #tpu.memory_space<vmem_shared>>
        %dma_start3A_34 = arith.constant 0 : i32
        %dma_start3A_35 = tpu.memref_slice %arg10[%add3A_32, %dma_start3A_34] : memref<10240x128xf32, #tpu.memory_space<vmem_shared>> -> memref<32x128xf32, #tpu.memory_space<vmem_shared>>
        tpu.enqueue_dma source(%arg9 : memref<32x128xf32, #tpu.memory_space<vmem>>) target(%dma_start3A_35 : memref<32x128xf32, #tpu.memory_space<vmem_shared>>) target_semaphore(%run_scoped3A : memref<!tpu.dma_semaphore, #tpu.memory_space<semaphore_mem>>)
        %dma_wait3A = arith.constant 0 : i32
        %dma_wait3A_36 = tpu.memref_slice %arg10[%add3A_32, %dma_wait3A] : memref<10240x128xf32, #tpu.memory_space<vmem_shared>> -> memref<32x128xf32, #tpu.memory_space<vmem_shared>>
        %dma_wait3A_37 = arith.constant 0 : i32
        %dma_wait3A_38 = tpu.memref_slice %arg10[%add3A_32, %dma_wait3A_37] : memref<10240x128xf32, #tpu.memory_space<vmem_shared>> -> memref<32x128xf32, #tpu.memory_space<vmem_shared>>
        tpu.wait_dma2 semaphore(%run_scoped3A : memref<!tpu.dma_semaphore, #tpu.memory_space<semaphore_mem>>) src(%arg9 : memref<32x128xf32, #tpu.memory_space<vmem>>) dst(%dma_wait3A_38 : memref<32x128xf32, #tpu.memory_space<vmem_shared>>)
        tpu.yield
      }) : () -> ()
    }
    %scan3A_12 = arith.constant 20 : i32
    "tpu.region"() ({
      %run_scoped3A = tpu.sem_alloc : memref<!tpu.dma_semaphore, #tpu.memory_space<semaphore_mem>>
      %dma_start3A = arith.constant 0 : i32
      %dma_start3A_27 = arith.constant 0 : i32
      %dma_start3A_28 = tpu.memref_slice %arg3[%add3A, %dma_start3A, %dma_start3A_27] : memref<32x79x128xi32, #tpu.memory_space<hbm>> -> memref<1x79x128xi32, #tpu.memory_space<hbm>>
      %dma_start3A_29 = tpu.memref_squeeze %dma_start3A_28 : memref<1x79x128xi32, #tpu.memory_space<hbm>> -> memref<79x128xi32, #tpu.memory_space<hbm>>
      %dma_start3A_30 = arith.constant 0 : i32
      %dma_start3A_31 = arith.constant 0 : i32
      %dma_start3A_32 = tpu.memref_slice %arg3[%add3A, %dma_start3A_30, %dma_start3A_31] : memref<32x79x128xi32, #tpu.memory_space<hbm>> -> memref<1x79x128xi32, #tpu.memory_space<hbm>>
      %dma_start3A_33 = tpu.memref_squeeze %dma_start3A_32 : memref<1x79x128xi32, #tpu.memory_space<hbm>> -> memref<79x128xi32, #tpu.memory_space<hbm>>
      tpu.enqueue_dma source(%dma_start3A_33 : memref<79x128xi32, #tpu.memory_space<hbm>>) target(%arg6 : memref<79x128xi32, #tpu.memory_space<vmem>>) target_semaphore(%run_scoped3A : memref<!tpu.dma_semaphore, #tpu.memory_space<semaphore_mem>>)
      %dma_wait3A = arith.constant 0 : i32
      %dma_wait3A_34 = arith.constant 0 : i32
      %dma_wait3A_35 = tpu.memref_slice %arg3[%add3A, %dma_wait3A, %dma_wait3A_34] : memref<32x79x128xi32, #tpu.memory_space<hbm>> -> memref<1x79x128xi32, #tpu.memory_space<hbm>>
      %dma_wait3A_36 = tpu.memref_squeeze %dma_wait3A_35 : memref<1x79x128xi32, #tpu.memory_space<hbm>> -> memref<79x128xi32, #tpu.memory_space<hbm>>
      %dma_wait3A_37 = arith.constant 0 : i32
      %dma_wait3A_38 = arith.constant 0 : i32
      %dma_wait3A_39 = tpu.memref_slice %arg3[%add3A, %dma_wait3A_37, %dma_wait3A_38] : memref<32x79x128xi32, #tpu.memory_space<hbm>> -> memref<1x79x128xi32, #tpu.memory_space<hbm>>
      %dma_wait3A_40 = tpu.memref_squeeze %dma_wait3A_39 : memref<1x79x128xi32, #tpu.memory_space<hbm>> -> memref<79x128xi32, #tpu.memory_space<hbm>>
      tpu.wait_dma2 semaphore(%run_scoped3A : memref<!tpu.dma_semaphore, #tpu.memory_space<semaphore_mem>>) src(%dma_wait3A_40 : memref<79x128xi32, #tpu.memory_space<hbm>>) dst(%arg6 : memref<79x128xi32, #tpu.memory_space<vmem>>)
      tpu.yield
    }) : () -> ()
    "tpu.region"() ({
      %run_scoped3A = tpu.sem_alloc : memref<!tpu.dma_semaphore, #tpu.memory_space<semaphore_mem>>
      %dma_start3A = arith.constant 0 : i32
      %dma_start3A_27 = arith.constant 0 : i32
      %dma_start3A_28 = tpu.memref_slice %arg4[%add3A, %dma_start3A, %dma_start3A_27] : memref<32x79x128xi32, #tpu.memory_space<hbm>> -> memref<1x79x128xi32, #tpu.memory_space<hbm>>
      %dma_start3A_29 = tpu.memref_squeeze %dma_start3A_28 : memref<1x79x128xi32, #tpu.memory_space<hbm>> -> memref<79x128xi32, #tpu.memory_space<hbm>>
      %dma_start3A_30 = arith.constant 0 : i32
      %dma_start3A_31 = arith.constant 0 : i32
      %dma_start3A_32 = tpu.memref_slice %arg4[%add3A, %dma_start3A_30, %dma_start3A_31] : memref<32x79x128xi32, #tpu.memory_space<hbm>> -> memref<1x79x128xi32, #tpu.memory_space<hbm>>
      %dma_start3A_33 = tpu.memref_squeeze %dma_start3A_32 : memref<1x79x128xi32, #tpu.memory_space<hbm>> -> memref<79x128xi32, #tpu.memory_space<hbm>>
      tpu.enqueue_dma source(%dma_start3A_33 : memref<79x128xi32, #tpu.memory_space<hbm>>) target(%arg7 : memref<79x128xi32, #tpu.memory_space<vmem>>) target_semaphore(%run_scoped3A : memref<!tpu.dma_semaphore, #tpu.memory_space<semaphore_mem>>)
      %dma_wait3A = arith.constant 0 : i32
      %dma_wait3A_34 = arith.constant 0 : i32
      %dma_wait3A_35 = tpu.memref_slice %arg4[%add3A, %dma_wait3A, %dma_wait3A_34] : memref<32x79x128xi32, #tpu.memory_space<hbm>> -> memref<1x79x128xi32, #tpu.memory_space<hbm>>
      %dma_wait3A_36 = tpu.memref_squeeze %dma_wait3A_35 : memref<1x79x128xi32, #tpu.memory_space<hbm>> -> memref<79x128xi32, #tpu.memory_space<hbm>>
      %dma_wait3A_37 = arith.constant 0 : i32
      %dma_wait3A_38 = arith.constant 0 : i32
      %dma_wait3A_39 = tpu.memref_slice %arg4[%add3A, %dma_wait3A_37, %dma_wait3A_38] : memref<32x79x128xi32, #tpu.memory_space<hbm>> -> memref<1x79x128xi32, #tpu.memory_space<hbm>>
      %dma_wait3A_40 = tpu.memref_squeeze %dma_wait3A_39 : memref<1x79x128xi32, #tpu.memory_space<hbm>> -> memref<79x128xi32, #tpu.memory_space<hbm>>
      tpu.wait_dma2 semaphore(%run_scoped3A : memref<!tpu.dma_semaphore, #tpu.memory_space<semaphore_mem>>) src(%dma_wait3A_40 : memref<79x128xi32, #tpu.memory_space<hbm>>) dst(%arg7 : memref<79x128xi32, #tpu.memory_space<vmem>>)
      tpu.yield
    }) : () -> ()
    %barrier3A = arith.constant 0 : index
    tpu.barrier barrier_id(%barrier3A)
    %scan3A_13 = arith.constant 0 : i32
    %scan3A_14 = arith.constant 0 : i32
    %scan3A_15 = arith.constant 79 : i32
    %scan3A_16 = arith.addi %scan3A_14, %scan3A_15 : i32
    %scan3A_17 = arith.constant 1 : i32
    scf.for %scan3A_27 = %scan3A_14 to %scan3A_16 step %scan3A_17  : i32 {
      %dma_start3A = arith.constant 0 : i32
      %dma_start3A_28 = tpu.memref_slice %arg6[%scan3A_27, %dma_start3A] : memref<79x128xi32, #tpu.memory_space<vmem>> -> memref<1x128xi32, #tpu.memory_space<vmem>>
      %dma_start3A_29 = tpu.memref_squeeze %dma_start3A_28 : memref<1x128xi32, #tpu.memory_space<vmem>> -> memref<128xi32, #tpu.memory_space<vmem>>
      %dma_start3A_30 = arith.constant 0 : i32
      %dma_start3A_31 = arith.constant 0 : i32
      %dma_start3A_32 = tpu.memref_slice %arg2[%dma_start3A_30, %dma_start3A_31] : memref<10240x128xf32, #tpu.memory_space<hbm>> -> memref<10240x128xf32, #tpu.memory_space<hbm>>
      tpu.enqueue_indirect_dma source(%dma_start3A_32 : memref<10240x128xf32, #tpu.memory_space<hbm>>) target(%arg8 : memref<128x128xf32, #tpu.memory_space<vmem>>) offsets(%dma_start3A_29 : memref<128xi32, #tpu.memory_space<vmem>>) semaphore(%arg11 : memref<!tpu.dma_semaphore, #tpu.memory_space<semaphore_mem>>)
      %dma_wait3A = arith.constant 0 : i32
      %dma_wait3A_33 = tpu.memref_slice %arg6[%scan3A_27, %dma_wait3A] : memref<79x128xi32, #tpu.memory_space<vmem>> -> memref<1x128xi32, #tpu.memory_space<vmem>>
      %dma_wait3A_34 = tpu.memref_squeeze %dma_wait3A_33 : memref<1x128xi32, #tpu.memory_space<vmem>> -> memref<128xi32, #tpu.memory_space<vmem>>
      %dma_wait3A_35 = arith.constant 0 : i32
      %dma_wait3A_36 = arith.constant 0 : i32
      %dma_wait3A_37 = tpu.memref_slice %arg2[%dma_wait3A_35, %dma_wait3A_36] : memref<10240x128xf32, #tpu.memory_space<hbm>> -> memref<10240x128xf32, #tpu.memory_space<hbm>>
      tpu.wait_indirect_dma semaphore(%arg11 : memref<!tpu.dma_semaphore, #tpu.memory_space<semaphore_mem>>) src(%dma_wait3A_37 : memref<10240x128xf32, #tpu.memory_space<hbm>>) dst(%arg8 : memref<128x128xf32, #tpu.memory_space<vmem>>)
      "tpu.region"() ({
        %run_scoped3A = tpu.sem_alloc : memref<!tpu.dma_semaphore, #tpu.memory_space<semaphore_mem>>
        %dma_start3A_38 = arith.constant 0 : i32
        %dma_start3A_39 = tpu.memref_slice %arg7[%scan3A_27, %dma_start3A_38] : memref<79x128xi32, #tpu.memory_space<vmem>> -> memref<1x128xi32, #tpu.memory_space<vmem>>
        %dma_start3A_40 = tpu.memref_squeeze %dma_start3A_39 : memref<1x128xi32, #tpu.memory_space<vmem>> -> memref<128xi32, #tpu.memory_space<vmem>>
        %dma_start3A_41 = arith.constant 0 : i32
        %dma_start3A_42 = arith.constant 0 : i32
        %dma_start3A_43 = tpu.memref_slice %arg10[%dma_start3A_41, %dma_start3A_42] : memref<10240x128xf32, #tpu.memory_space<vmem_shared>> -> memref<10240x128xf32, #tpu.memory_space<vmem_shared>>
        tpu.enqueue_indirect_dma source(%arg8 : memref<128x128xf32, #tpu.memory_space<vmem>>) target(%dma_start3A_43 : memref<10240x128xf32, #tpu.memory_space<vmem_shared>>) offsets(%dma_start3A_40 : memref<128xi32, #tpu.memory_space<vmem>>) semaphore(%run_scoped3A : memref<!tpu.dma_semaphore, #tpu.memory_space<semaphore_mem>>) {add = true}
        %dma_wait3A_44 = arith.constant 0 : i32
        %dma_wait3A_45 = tpu.memref_slice %arg7[%scan3A_27, %dma_wait3A_44] : memref<79x128xi32, #tpu.memory_space<vmem>> -> memref<1x128xi32, #tpu.memory_space<vmem>>
        %dma_wait3A_46 = tpu.memref_squeeze %dma_wait3A_45 : memref<1x128xi32, #tpu.memory_space<vmem>> -> memref<128xi32, #tpu.memory_space<vmem>>
        %dma_wait3A_47 = arith.constant 0 : i32
        %dma_wait3A_48 = arith.constant 0 : i32
        %dma_wait3A_49 = tpu.memref_slice %arg10[%dma_wait3A_47, %dma_wait3A_48] : memref<10240x128xf32, #tpu.memory_space<vmem_shared>> -> memref<10240x128xf32, #tpu.memory_space<vmem_shared>>
        tpu.wait_indirect_dma semaphore(%run_scoped3A : memref<!tpu.dma_semaphore, #tpu.memory_space<semaphore_mem>>) src(%arg8 : memref<128x128xf32, #tpu.memory_space<vmem>>) dst(%dma_wait3A_49 : memref<10240x128xf32, #tpu.memory_space<vmem_shared>>)
        tpu.yield
      }) : () -> ()
    }
    %scan3A_18 = arith.constant 79 : i32
    %barrier3A_19 = arith.constant 0 : index
    tpu.barrier barrier_id(%barrier3A_19)
    %mul3A_20 = arith.constant 640 : i32
    %mul3A_21 = arith.muli %arg1, %mul3A_20 : i32
    %mul3A_22 = arith.constant 10240 : i32
    %mul3A_23 = arith.muli %arg0, %mul3A_22 : i32
    %mul3A_24 = arith.constant 640 : i32
    %mul3A_25 = arith.muli %arg1, %mul3A_24 : i32
    %add3A_26 = arith.addi %mul3A_23, %mul3A_25 : i32
    "tpu.region"() ({
      %run_scoped3A = tpu.sem_alloc : memref<!tpu.dma_semaphore, #tpu.memory_space<semaphore_mem>>
      %dma_start3A = arith.constant 0 : i32
      %dma_start3A_27 = tpu.memref_slice %arg5[%add3A_26, %dma_start3A] : memref<20480x128xf32, #tpu.memory_space<hbm>> -> memref<640x128xf32, #tpu.memory_space<hbm>>
      %dma_start3A_28 = arith.constant 0 : i32
      %dma_start3A_29 = tpu.memref_slice %arg10[%mul3A_21, %dma_start3A_28] : memref<10240x128xf32, #tpu.memory_space<vmem_shared>> -> memref<640x128xf32, #tpu.memory_space<vmem_shared>>
      tpu.enqueue_dma source(%dma_start3A_29 : memref<640x128xf32, #tpu.memory_space<vmem_shared>>) target(%dma_start3A_27 : memref<640x128xf32, #tpu.memory_space<hbm>>) target_semaphore(%run_scoped3A : memref<!tpu.dma_semaphore, #tpu.memory_space<semaphore_mem>>)
      %dma_wait3A = arith.constant 0 : i32
      %dma_wait3A_30 = tpu.memref_slice %arg5[%add3A_26, %dma_wait3A] : memref<20480x128xf32, #tpu.memory_space<hbm>> -> memref<640x128xf32, #tpu.memory_space<hbm>>
      %dma_wait3A_31 = arith.constant 0 : i32
      %dma_wait3A_32 = tpu.memref_slice %arg10[%mul3A_21, %dma_wait3A_31] : memref<10240x128xf32, #tpu.memory_space<vmem_shared>> -> memref<640x128xf32, #tpu.memory_space<vmem_shared>>
      tpu.wait_dma2 semaphore(%run_scoped3A : memref<!tpu.dma_semaphore, #tpu.memory_space<semaphore_mem>>) src(%dma_wait3A_32 : memref<640x128xf32, #tpu.memory_space<vmem_shared>>) dst(%dma_wait3A_30 : memref<640x128xf32, #tpu.memory_space<hbm>>)
      tpu.yield
    }) : () -> ()
    return
  }
}

#map = affine_map<(d0, d1) -> (0, 0)>
#map1 = affine_map<(d0, d1) -> (0, 0, 0)>
module attributes {stable_mosaic.version = 14 : i64} {
  func.func @sc_agg(%arg0: i32, %arg1: i32, %arg2: memref<10240x128xf32, #tpu.memory_space<hbm>>, %arg3: memref<32x79x128xi32, #tpu.memory_space<hbm>>, %arg4: memref<32x79x128xi32, #tpu.memory_space<hbm>>, %arg5: memref<20480x128xf32, #tpu.memory_space<hbm>>, %arg6: memref<79x128xi32, #tpu.memory_space<vmem>>, %arg7: memref<79x128xi32, #tpu.memory_space<vmem>>, %arg8: memref<128x128xf32, #tpu.memory_space<vmem>>, %arg9: memref<32x128xf32, #tpu.memory_space<vmem>>, %arg10: memref<10240x128xf32, #tpu.memory_space<vmem_shared>>, %arg11: memref<!tpu.dma_semaphore, #tpu.memory_space<semaphore_mem>>) attributes {dimension_semantics = [#tpu.dimension_semantics<core_parallel>, #tpu.dimension_semantics<subcore_parallel>], iteration_bounds = array<i64: 2, 16>, scalar_prefetch = 0 : i64, scratch_operands = 6 : i64, tpu.core_type = #tpu.core_type<sc_vector_subcore>, window_params = [{transform_indices = #map}, {transform_indices = #map1}, {transform_indices = #map1}, {transform_indices = #map}]} {
    %mul3A = arith.constant 16 : i32
    %mul3A_0 = arith.muli %arg0, %mul3A : i32
    %add3A = arith.addi %mul3A_0, %arg1 : i32
    %broadcast_in_dim3A = arith.constant 0.000000e+00 : f32
    %broadcast_in_dim3A_1 = vector.broadcast %broadcast_in_dim3A : f32 to vector<16xf32>
    %scan3A = arith.constant 0 : i32
    %scan3A_2 = arith.constant 0 : i32
    %scan3A_3 = arith.constant 32 : i32
    %scan3A_4 = arith.addi %scan3A_2, %scan3A_3 : i32
    %scan3A_5 = arith.constant 1 : i32
    scf.for %scan3A_27 = %scan3A_2 to %scan3A_4 step %scan3A_5  : i32 {
      %swap3A = arith.index_cast %scan3A_27 : i32 to index
      %swap3A_28 = arith.constant 0 : index
      %swap3A_29 = tpu.vector_load %arg9[%swap3A, %swap3A_28] {strides = array<i32>} : memref<32x128xf32, #tpu.memory_space<vmem>>, vector<1x16xf32>,
      %swap3A_30 = vector.shape_cast %swap3A_29 : vector<1x16xf32> to vector<16xf32>
      %swap3A_31 = vector.shape_cast %broadcast_in_dim3A_1 : vector<16xf32> to vector<1x16xf32>
      tpu.vector_store %arg9[%swap3A, %swap3A_28], %swap3A_31 {strides = array<i32>} : memref<32x128xf32, #tpu.memory_space<vmem>>, vector<1x16xf32>,
      %swap3A_32 = arith.index_cast %scan3A_27 : i32 to index
      %swap3A_33 = arith.constant 16 : index
      %swap3A_34 = tpu.vector_load %arg9[%swap3A_32, %swap3A_33] {strides = array<i32>} : memref<32x128xf32, #tpu.memory_space<vmem>>, vector<1x16xf32>,
      %swap3A_35 = vector.shape_cast %swap3A_34 : vector<1x16xf32> to vector<16xf32>
      %swap3A_36 = vector.shape_cast %broadcast_in_dim3A_1 : vector<16xf32> to vector<1x16xf32>
      tpu.vector_store %arg9[%swap3A_32, %swap3A_33], %swap3A_36 {strides = array<i32>} : memref<32x128xf32, #tpu.memory_space<vmem>>, vector<1x16xf32>,
      %swap3A_37 = arith.index_cast %scan3A_27 : i32 to index
      %swap3A_38 = arith.constant 32 : index
      %swap3A_39 = tpu.vector_load %arg9[%swap3A_37, %swap3A_38] {strides = array<i32>} : memref<32x128xf32, #tpu.memory_space<vmem>>, vector<1x16xf32>,
      %swap3A_40 = vector.shape_cast %swap3A_39 : vector<1x16xf32> to vector<16xf32>
      %swap3A_41 = vector.shape_cast %broadcast_in_dim3A_1 : vector<16xf32> to vector<1x16xf32>
      tpu.vector_store %arg9[%swap3A_37, %swap3A_38], %swap3A_41 {strides = array<i32>} : memref<32x128xf32, #tpu.memory_space<vmem>>, vector<1x16xf32>,
      %swap3A_42 = arith.index_cast %scan3A_27 : i32 to index
      %swap3A_43 = arith.constant 48 : index
      %swap3A_44 = tpu.vector_load %arg9[%swap3A_42, %swap3A_43] {strides = array<i32>} : memref<32x128xf32, #tpu.memory_space<vmem>>, vector<1x16xf32>,
      %swap3A_45 = vector.shape_cast %swap3A_44 : vector<1x16xf32> to vector<16xf32>
      %swap3A_46 = vector.shape_cast %broadcast_in_dim3A_1 : vector<16xf32> to vector<1x16xf32>
      tpu.vector_store %arg9[%swap3A_42, %swap3A_43], %swap3A_46 {strides = array<i32>} : memref<32x128xf32, #tpu.memory_space<vmem>>, vector<1x16xf32>,
      %swap3A_47 = arith.index_cast %scan3A_27 : i32 to index
      %swap3A_48 = arith.constant 64 : index
      %swap3A_49 = tpu.vector_load %arg9[%swap3A_47, %swap3A_48] {strides = array<i32>} : memref<32x128xf32, #tpu.memory_space<vmem>>, vector<1x16xf32>,
      %swap3A_50 = vector.shape_cast %swap3A_49 : vector<1x16xf32> to vector<16xf32>
      %swap3A_51 = vector.shape_cast %broadcast_in_dim3A_1 : vector<16xf32> to vector<1x16xf32>
      tpu.vector_store %arg9[%swap3A_47, %swap3A_48], %swap3A_51 {strides = array<i32>} : memref<32x128xf32, #tpu.memory_space<vmem>>, vector<1x16xf32>,
      %swap3A_52 = arith.index_cast %scan3A_27 : i32 to index
      %swap3A_53 = arith.constant 80 : index
      %swap3A_54 = tpu.vector_load %arg9[%swap3A_52, %swap3A_53] {strides = array<i32>} : memref<32x128xf32, #tpu.memory_space<vmem>>, vector<1x16xf32>,
      %swap3A_55 = vector.shape_cast %swap3A_54 : vector<1x16xf32> to vector<16xf32>
      %swap3A_56 = vector.shape_cast %broadcast_in_dim3A_1 : vector<16xf32> to vector<1x16xf32>
      tpu.vector_store %arg9[%swap3A_52, %swap3A_53], %swap3A_56 {strides = array<i32>} : memref<32x128xf32, #tpu.memory_space<vmem>>, vector<1x16xf32>,
      %swap3A_57 = arith.index_cast %scan3A_27 : i32 to index
      %swap3A_58 = arith.constant 96 : index
      %swap3A_59 = tpu.vector_load %arg9[%swap3A_57, %swap3A_58] {strides = array<i32>} : memref<32x128xf32, #tpu.memory_space<vmem>>, vector<1x16xf32>,
      %swap3A_60 = vector.shape_cast %swap3A_59 : vector<1x16xf32> to vector<16xf32>
      %swap3A_61 = vector.shape_cast %broadcast_in_dim3A_1 : vector<16xf32> to vector<1x16xf32>
      tpu.vector_store %arg9[%swap3A_57, %swap3A_58], %swap3A_61 {strides = array<i32>} : memref<32x128xf32, #tpu.memory_space<vmem>>, vector<1x16xf32>,
      %swap3A_62 = arith.index_cast %scan3A_27 : i32 to index
      %swap3A_63 = arith.constant 112 : index
      %swap3A_64 = tpu.vector_load %arg9[%swap3A_62, %swap3A_63] {strides = array<i32>} : memref<32x128xf32, #tpu.memory_space<vmem>>, vector<1x16xf32>,
      %swap3A_65 = vector.shape_cast %swap3A_64 : vector<1x16xf32> to vector<16xf32>
      %swap3A_66 = vector.shape_cast %broadcast_in_dim3A_1 : vector<16xf32> to vector<1x16xf32>
      tpu.vector_store %arg9[%swap3A_62, %swap3A_63], %swap3A_66 {strides = array<i32>} : memref<32x128xf32, #tpu.memory_space<vmem>>, vector<1x16xf32>,
    }
    %scan3A_6 = arith.constant 32 : i32
    %scan3A_7 = arith.constant 0 : i32
    %scan3A_8 = arith.constant 0 : i32
    %scan3A_9 = arith.constant 20 : i32
    %scan3A_10 = arith.addi %scan3A_8, %scan3A_9 : i32
    %scan3A_11 = arith.constant 1 : i32
    scf.for %scan3A_27 = %scan3A_8 to %scan3A_10 step %scan3A_11  : i32 {
      %mul3A_28 = arith.constant 640 : i32
      %mul3A_29 = arith.muli %arg1, %mul3A_28 : i32
      %mul3A_30 = arith.constant 32 : i32
      %mul3A_31 = arith.muli %scan3A_27, %mul3A_30 : i32
      %add3A_32 = arith.addi %mul3A_29, %mul3A_31 : i32
      "tpu.region"() ({
        %run_scoped3A = tpu.sem_alloc : memref<!tpu.dma_semaphore, #tpu.memory_space<semaphore_mem>>
        %dma_start3A = arith.constant 0 : i32
        %dma_start3A_33 = tpu.memref_slice %arg10[%add3A_32, %dma_start3A] : memref<10240x128xf32, #tpu.memory_space<vmem_shared>> -> memref<32x128xf32, #tpu.memory_space<vmem_shared>>
        %dma_start3A_34 = arith.constant 0 : i32
        %dma_start3A_35 = tpu.memref_slice %arg10[%add3A_32, %dma_start3A_34] : memref<10240x128xf32, #tpu.memory_space<vmem_shared>> -> memref<32x128xf32, #tpu.memory_space<vmem_shared>>
        tpu.enqueue_dma source(%arg9 : memref<32x128xf32, #tpu.memory_space<vmem>>) target(%dma_start3A_35 : memref<32x128xf32, #tpu.memory_space<vmem_shared>>) target_semaphore(%run_scoped3A : memref<!tpu.dma_semaphore, #tpu.memory_space<semaphore_mem>>)
        %dma_wait3A = arith.constant 0 : i32
        %dma_wait3A_36 = tpu.memref_slice %arg10[%add3A_32, %dma_wait3A] : memref<10240x128xf32, #tpu.memory_space<vmem_shared>> -> memref<32x128xf32, #tpu.memory_space<vmem_shared>>
        %dma_wait3A_37 = arith.constant 0 : i32
        %dma_wait3A_38 = tpu.memref_slice %arg10[%add3A_32, %dma_wait3A_37] : memref<10240x128xf32, #tpu.memory_space<vmem_shared>> -> memref<32x128xf32, #tpu.memory_space<vmem_shared>>
        tpu.wait_dma2 semaphore(%run_scoped3A : memref<!tpu.dma_semaphore, #tpu.memory_space<semaphore_mem>>) src(%arg9 : memref<32x128xf32, #tpu.memory_space<vmem>>) dst(%dma_wait3A_38 : memref<32x128xf32, #tpu.memory_space<vmem_shared>>)
        tpu.yield
      }) : () -> ()
    }
    %scan3A_12 = arith.constant 20 : i32
    "tpu.region"() ({
      %run_scoped3A = tpu.sem_alloc : memref<!tpu.dma_semaphore, #tpu.memory_space<semaphore_mem>>
      %dma_start3A = arith.constant 0 : i32
      %dma_start3A_27 = arith.constant 0 : i32
      %dma_start3A_28 = tpu.memref_slice %arg3[%add3A, %dma_start3A, %dma_start3A_27] : memref<32x79x128xi32, #tpu.memory_space<hbm>> -> memref<1x79x128xi32, #tpu.memory_space<hbm>>
      %dma_start3A_29 = tpu.memref_squeeze %dma_start3A_28 : memref<1x79x128xi32, #tpu.memory_space<hbm>> -> memref<79x128xi32, #tpu.memory_space<hbm>>
      %dma_start3A_30 = arith.constant 0 : i32
      %dma_start3A_31 = arith.constant 0 : i32
      %dma_start3A_32 = tpu.memref_slice %arg3[%add3A, %dma_start3A_30, %dma_start3A_31] : memref<32x79x128xi32, #tpu.memory_space<hbm>> -> memref<1x79x128xi32, #tpu.memory_space<hbm>>
      %dma_start3A_33 = tpu.memref_squeeze %dma_start3A_32 : memref<1x79x128xi32, #tpu.memory_space<hbm>> -> memref<79x128xi32, #tpu.memory_space<hbm>>
      tpu.enqueue_dma source(%dma_start3A_33 : memref<79x128xi32, #tpu.memory_space<hbm>>) target(%arg6 : memref<79x128xi32, #tpu.memory_space<vmem>>) target_semaphore(%run_scoped3A : memref<!tpu.dma_semaphore, #tpu.memory_space<semaphore_mem>>)
      %dma_wait3A = arith.constant 0 : i32
      %dma_wait3A_34 = arith.constant 0 : i32
      %dma_wait3A_35 = tpu.memref_slice %arg3[%add3A, %dma_wait3A, %dma_wait3A_34] : memref<32x79x128xi32, #tpu.memory_space<hbm>> -> memref<1x79x128xi32, #tpu.memory_space<hbm>>
      %dma_wait3A_36 = tpu.memref_squeeze %dma_wait3A_35 : memref<1x79x128xi32, #tpu.memory_space<hbm>> -> memref<79x128xi32, #tpu.memory_space<hbm>>
      %dma_wait3A_37 = arith.constant 0 : i32
      %dma_wait3A_38 = arith.constant 0 : i32
      %dma_wait3A_39 = tpu.memref_slice %arg3[%add3A, %dma_wait3A_37, %dma_wait3A_38] : memref<32x79x128xi32, #tpu.memory_space<hbm>> -> memref<1x79x128xi32, #tpu.memory_space<hbm>>
      %dma_wait3A_40 = tpu.memref_squeeze %dma_wait3A_39 : memref<1x79x128xi32, #tpu.memory_space<hbm>> -> memref<79x128xi32, #tpu.memory_space<hbm>>
      tpu.wait_dma2 semaphore(%run_scoped3A : memref<!tpu.dma_semaphore, #tpu.memory_space<semaphore_mem>>) src(%dma_wait3A_40 : memref<79x128xi32, #tpu.memory_space<hbm>>) dst(%arg6 : memref<79x128xi32, #tpu.memory_space<vmem>>)
      tpu.yield
    }) : () -> ()
    "tpu.region"() ({
      %run_scoped3A = tpu.sem_alloc : memref<!tpu.dma_semaphore, #tpu.memory_space<semaphore_mem>>
      %dma_start3A = arith.constant 0 : i32
      %dma_start3A_27 = arith.constant 0 : i32
      %dma_start3A_28 = tpu.memref_slice %arg4[%add3A, %dma_start3A, %dma_start3A_27] : memref<32x79x128xi32, #tpu.memory_space<hbm>> -> memref<1x79x128xi32, #tpu.memory_space<hbm>>
      %dma_start3A_29 = tpu.memref_squeeze %dma_start3A_28 : memref<1x79x128xi32, #tpu.memory_space<hbm>> -> memref<79x128xi32, #tpu.memory_space<hbm>>
      %dma_start3A_30 = arith.constant 0 : i32
      %dma_start3A_31 = arith.constant 0 : i32
      %dma_start3A_32 = tpu.memref_slice %arg4[%add3A, %dma_start3A_30, %dma_start3A_31] : memref<32x79x128xi32, #tpu.memory_space<hbm>> -> memref<1x79x128xi32, #tpu.memory_space<hbm>>
      %dma_start3A_33 = tpu.memref_squeeze %dma_start3A_32 : memref<1x79x128xi32, #tpu.memory_space<hbm>> -> memref<79x128xi32, #tpu.memory_space<hbm>>
      tpu.enqueue_dma source(%dma_start3A_33 : memref<79x128xi32, #tpu.memory_space<hbm>>) target(%arg7 : memref<79x128xi32, #tpu.memory_space<vmem>>) target_semaphore(%run_scoped3A : memref<!tpu.dma_semaphore, #tpu.memory_space<semaphore_mem>>)
      %dma_wait3A = arith.constant 0 : i32
      %dma_wait3A_34 = arith.constant 0 : i32
      %dma_wait3A_35 = tpu.memref_slice %arg4[%add3A, %dma_wait3A, %dma_wait3A_34] : memref<32x79x128xi32, #tpu.memory_space<hbm>> -> memref<1x79x128xi32, #tpu.memory_space<hbm>>
      %dma_wait3A_36 = tpu.memref_squeeze %dma_wait3A_35 : memref<1x79x128xi32, #tpu.memory_space<hbm>> -> memref<79x128xi32, #tpu.memory_space<hbm>>
      %dma_wait3A_37 = arith.constant 0 : i32
      %dma_wait3A_38 = arith.constant 0 : i32
      %dma_wait3A_39 = tpu.memref_slice %arg4[%add3A, %dma_wait3A_37, %dma_wait3A_38] : memref<32x79x128xi32, #tpu.memory_space<hbm>> -> memref<1x79x128xi32, #tpu.memory_space<hbm>>
      %dma_wait3A_40 = tpu.memref_squeeze %dma_wait3A_39 : memref<1x79x128xi32, #tpu.memory_space<hbm>> -> memref<79x128xi32, #tpu.memory_space<hbm>>
      tpu.wait_dma2 semaphore(%run_scoped3A : memref<!tpu.dma_semaphore, #tpu.memory_space<semaphore_mem>>) src(%dma_wait3A_40 : memref<79x128xi32, #tpu.memory_space<hbm>>) dst(%arg7 : memref<79x128xi32, #tpu.memory_space<vmem>>)
      tpu.yield
    }) : () -> ()
    %barrier3A = arith.constant 0 : index
    tpu.barrier barrier_id(%barrier3A)
    %scan3A_13 = arith.constant 0 : i32
    %scan3A_14 = arith.constant 0 : i32
    %scan3A_15 = arith.constant 79 : i32
    %scan3A_16 = arith.addi %scan3A_14, %scan3A_15 : i32
    %scan3A_17 = arith.constant 1 : i32
    scf.for %scan3A_27 = %scan3A_14 to %scan3A_16 step %scan3A_17  : i32 {
      %dma_start3A = arith.constant 0 : i32
      %dma_start3A_28 = tpu.memref_slice %arg6[%scan3A_27, %dma_start3A] : memref<79x128xi32, #tpu.memory_space<vmem>> -> memref<1x128xi32, #tpu.memory_space<vmem>>
      %dma_start3A_29 = tpu.memref_squeeze %dma_start3A_28 : memref<1x128xi32, #tpu.memory_space<vmem>> -> memref<128xi32, #tpu.memory_space<vmem>>
      %dma_start3A_30 = arith.constant 0 : i32
      %dma_start3A_31 = arith.constant 0 : i32
      %dma_start3A_32 = tpu.memref_slice %arg2[%dma_start3A_30, %dma_start3A_31] : memref<10240x128xf32, #tpu.memory_space<hbm>> -> memref<10240x128xf32, #tpu.memory_space<hbm>>
      tpu.enqueue_indirect_dma source(%dma_start3A_32 : memref<10240x128xf32, #tpu.memory_space<hbm>>) target(%arg8 : memref<128x128xf32, #tpu.memory_space<vmem>>) offsets(%dma_start3A_29 : memref<128xi32, #tpu.memory_space<vmem>>) semaphore(%arg11 : memref<!tpu.dma_semaphore, #tpu.memory_space<semaphore_mem>>)
      %dma_wait3A = arith.constant 0 : i32
      %dma_wait3A_33 = tpu.memref_slice %arg6[%scan3A_27, %dma_wait3A] : memref<79x128xi32, #tpu.memory_space<vmem>> -> memref<1x128xi32, #tpu.memory_space<vmem>>
      %dma_wait3A_34 = tpu.memref_squeeze %dma_wait3A_33 : memref<1x128xi32, #tpu.memory_space<vmem>> -> memref<128xi32, #tpu.memory_space<vmem>>
      %dma_wait3A_35 = arith.constant 0 : i32
      %dma_wait3A_36 = arith.constant 0 : i32
      %dma_wait3A_37 = tpu.memref_slice %arg2[%dma_wait3A_35, %dma_wait3A_36] : memref<10240x128xf32, #tpu.memory_space<hbm>> -> memref<10240x128xf32, #tpu.memory_space<hbm>>
      tpu.wait_indirect_dma semaphore(%arg11 : memref<!tpu.dma_semaphore, #tpu.memory_space<semaphore_mem>>) src(%dma_wait3A_37 : memref<10240x128xf32, #tpu.memory_space<hbm>>) dst(%arg8 : memref<128x128xf32, #tpu.memory_space<vmem>>)
      "tpu.region"() ({
        %run_scoped3A = tpu.sem_alloc : memref<!tpu.dma_semaphore, #tpu.memory_space<semaphore_mem>>
        %dma_start3A_38 = arith.constant 0 : i32
        %dma_start3A_39 = tpu.memref_slice %arg7[%scan3A_27, %dma_start3A_38] : memref<79x128xi32, #tpu.memory_space<vmem>> -> memref<1x128xi32, #tpu.memory_space<vmem>>
        %dma_start3A_40 = tpu.memref_squeeze %dma_start3A_39 : memref<1x128xi32, #tpu.memory_space<vmem>> -> memref<128xi32, #tpu.memory_space<vmem>>
        %dma_start3A_41 = arith.constant 0 : i32
        %dma_start3A_42 = arith.constant 0 : i32
        %dma_start3A_43 = tpu.memref_slice %arg10[%dma_start3A_41, %dma_start3A_42] : memref<10240x128xf32, #tpu.memory_space<vmem_shared>> -> memref<10240x128xf32, #tpu.memory_space<vmem_shared>>
        tpu.enqueue_indirect_dma source(%arg8 : memref<128x128xf32, #tpu.memory_space<vmem>>) target(%dma_start3A_43 : memref<10240x128xf32, #tpu.memory_space<vmem_shared>>) offsets(%dma_start3A_40 : memref<128xi32, #tpu.memory_space<vmem>>) semaphore(%run_scoped3A : memref<!tpu.dma_semaphore, #tpu.memory_space<semaphore_mem>>) {add = true}
        %dma_wait3A_44 = arith.constant 0 : i32
        %dma_wait3A_45 = tpu.memref_slice %arg7[%scan3A_27, %dma_wait3A_44] : memref<79x128xi32, #tpu.memory_space<vmem>> -> memref<1x128xi32, #tpu.memory_space<vmem>>
        %dma_wait3A_46 = tpu.memref_squeeze %dma_wait3A_45 : memref<1x128xi32, #tpu.memory_space<vmem>> -> memref<128xi32, #tpu.memory_space<vmem>>
        %dma_wait3A_47 = arith.constant 0 : i32
        %dma_wait3A_48 = arith.constant 0 : i32
        %dma_wait3A_49 = tpu.memref_slice %arg10[%dma_wait3A_47, %dma_wait3A_48] : memref<10240x128xf32, #tpu.memory_space<vmem_shared>> -> memref<10240x128xf32, #tpu.memory_space<vmem_shared>>
        tpu.wait_indirect_dma semaphore(%run_scoped3A : memref<!tpu.dma_semaphore, #tpu.memory_space<semaphore_mem>>) src(%arg8 : memref<128x128xf32, #tpu.memory_space<vmem>>) dst(%dma_wait3A_49 : memref<10240x128xf32, #tpu.memory_space<vmem_shared>>)
        tpu.yield
      }) : () -> ()
    }
    %scan3A_18 = arith.constant 79 : i32
    %barrier3A_19 = arith.constant 0 : index
    tpu.barrier barrier_id(%barrier3A_19)
    %mul3A_20 = arith.constant 640 : i32
    %mul3A_21 = arith.muli %arg1, %mul3A_20 : i32
    %mul3A_22 = arith.constant 10240 : i32
    %mul3A_23 = arith.muli %arg0, %mul3A_22 : i32
    %mul3A_24 = arith.constant 640 : i32
    %mul3A_25 = arith.muli %arg1, %mul3A_24 : i32
    %add3A_26 = arith.addi %mul3A_23, %mul3A_25 : i32
    "tpu.region"() ({
      %run_scoped3A = tpu.sem_alloc : memref<!tpu.dma_semaphore, #tpu.memory_space<semaphore_mem>>
      %dma_start3A = arith.constant 0 : i32
      %dma_start3A_27 = tpu.memref_slice %arg5[%add3A_26, %dma_start3A] : memref<20480x128xf32, #tpu.memory_space<hbm>> -> memref<640x128xf32, #tpu.memory_space<hbm>>
      %dma_start3A_28 = arith.constant 0 : i32
      %dma_start3A_29 = tpu.memref_slice %arg10[%mul3A_21, %dma_start3A_28] : memref<10240x128xf32, #tpu.memory_space<vmem_shared>> -> memref<640x128xf32, #tpu.memory_space<vmem_shared>>
      tpu.enqueue_dma source(%dma_start3A_29 : memref<640x128xf32, #tpu.memory_space<vmem_shared>>) target(%dma_start3A_27 : memref<640x128xf32, #tpu.memory_space<hbm>>) target_semaphore(%run_scoped3A : memref<!tpu.dma_semaphore, #tpu.memory_space<semaphore_mem>>)
      %dma_wait3A = arith.constant 0 : i32
      %dma_wait3A_30 = tpu.memref_slice %arg5[%add3A_26, %dma_wait3A] : memref<20480x128xf32, #tpu.memory_space<hbm>> -> memref<640x128xf32, #tpu.memory_space<hbm>>
      %dma_wait3A_31 = arith.constant 0 : i32
      %dma_wait3A_32 = tpu.memref_slice %arg10[%mul3A_21, %dma_wait3A_31] : memref<10240x128xf32, #tpu.memory_space<vmem_shared>> -> memref<640x128xf32, #tpu.memory_space<vmem_shared>>
      tpu.wait_dma2 semaphore(%run_scoped3A : memref<!tpu.dma_semaphore, #tpu.memory_space<semaphore_mem>>) src(%dma_wait3A_32 : memref<640x128xf32, #tpu.memory_space<vmem_shared>>) dst(%dma_wait3A_30 : memref<640x128xf32, #tpu.memory_space<hbm>>)
      tpu.yield
    }) : () -> ()
    return
  }
}

#map = affine_map<(d0, d1) -> (0, 0)>
#map1 = affine_map<(d0, d1) -> (0, 0, 0)>
module attributes {stable_mosaic.version = 14 : i64} {
  func.func @sc_agg(%arg0: i32, %arg1: i32, %arg2: memref<10240x128xf32, #tpu.memory_space<hbm>>, %arg3: memref<32x79x128xi32, #tpu.memory_space<hbm>>, %arg4: memref<32x79x128xi32, #tpu.memory_space<hbm>>, %arg5: memref<20480x128xf32, #tpu.memory_space<hbm>>, %arg6: memref<79x128xi32, #tpu.memory_space<vmem>>, %arg7: memref<79x128xi32, #tpu.memory_space<vmem>>, %arg8: memref<128x128xf32, #tpu.memory_space<vmem>>, %arg9: memref<32x128xf32, #tpu.memory_space<vmem>>, %arg10: memref<10240x128xf32, #tpu.memory_space<vmem_shared>>, %arg11: memref<!tpu.dma_semaphore, #tpu.memory_space<semaphore_mem>>) attributes {dimension_semantics = [#tpu.dimension_semantics<core_parallel>, #tpu.dimension_semantics<subcore_parallel>], iteration_bounds = array<i64: 2, 16>, scalar_prefetch = 0 : i64, scratch_operands = 6 : i64, tpu.core_type = #tpu.core_type<sc_vector_subcore>, window_params = [{transform_indices = #map}, {transform_indices = #map1}, {transform_indices = #map1}, {transform_indices = #map}]} {
    %mul3A = arith.constant 16 : i32
    %mul3A_0 = arith.muli %arg0, %mul3A : i32
    %add3A = arith.addi %mul3A_0, %arg1 : i32
    %broadcast_in_dim3A = arith.constant 0.000000e+00 : f32
    %broadcast_in_dim3A_1 = vector.broadcast %broadcast_in_dim3A : f32 to vector<16xf32>
    %scan3A = arith.constant 0 : i32
    %scan3A_2 = arith.constant 0 : i32
    %scan3A_3 = arith.constant 32 : i32
    %scan3A_4 = arith.addi %scan3A_2, %scan3A_3 : i32
    %scan3A_5 = arith.constant 1 : i32
    scf.for %scan3A_27 = %scan3A_2 to %scan3A_4 step %scan3A_5  : i32 {
      %swap3A = arith.index_cast %scan3A_27 : i32 to index
      %swap3A_28 = arith.constant 0 : index
      %swap3A_29 = tpu.vector_load %arg9[%swap3A, %swap3A_28] {strides = array<i32>} : memref<32x128xf32, #tpu.memory_space<vmem>>, vector<1x16xf32>,
      %swap3A_30 = vector.shape_cast %swap3A_29 : vector<1x16xf32> to vector<16xf32>
      %swap3A_31 = vector.shape_cast %broadcast_in_dim3A_1 : vector<16xf32> to vector<1x16xf32>
      tpu.vector_store %arg9[%swap3A, %swap3A_28], %swap3A_31 {strides = array<i32>} : memref<32x128xf32, #tpu.memory_space<vmem>>, vector<1x16xf32>,
      %swap3A_32 = arith.index_cast %scan3A_27 : i32 to index
      %swap3A_33 = arith.constant 16 : index
      %swap3A_34 = tpu.vector_load %arg9[%swap3A_32, %swap3A_33] {strides = array<i32>} : memref<32x128xf32, #tpu.memory_space<vmem>>, vector<1x16xf32>,
      %swap3A_35 = vector.shape_cast %swap3A_34 : vector<1x16xf32> to vector<16xf32>
      %swap3A_36 = vector.shape_cast %broadcast_in_dim3A_1 : vector<16xf32> to vector<1x16xf32>
      tpu.vector_store %arg9[%swap3A_32, %swap3A_33], %swap3A_36 {strides = array<i32>} : memref<32x128xf32, #tpu.memory_space<vmem>>, vector<1x16xf32>,
      %swap3A_37 = arith.index_cast %scan3A_27 : i32 to index
      %swap3A_38 = arith.constant 32 : index
      %swap3A_39 = tpu.vector_load %arg9[%swap3A_37, %swap3A_38] {strides = array<i32>} : memref<32x128xf32, #tpu.memory_space<vmem>>, vector<1x16xf32>,
      %swap3A_40 = vector.shape_cast %swap3A_39 : vector<1x16xf32> to vector<16xf32>
      %swap3A_41 = vector.shape_cast %broadcast_in_dim3A_1 : vector<16xf32> to vector<1x16xf32>
      tpu.vector_store %arg9[%swap3A_37, %swap3A_38], %swap3A_41 {strides = array<i32>} : memref<32x128xf32, #tpu.memory_space<vmem>>, vector<1x16xf32>,
      %swap3A_42 = arith.index_cast %scan3A_27 : i32 to index
      %swap3A_43 = arith.constant 48 : index
      %swap3A_44 = tpu.vector_load %arg9[%swap3A_42, %swap3A_43] {strides = array<i32>} : memref<32x128xf32, #tpu.memory_space<vmem>>, vector<1x16xf32>,
      %swap3A_45 = vector.shape_cast %swap3A_44 : vector<1x16xf32> to vector<16xf32>
      %swap3A_46 = vector.shape_cast %broadcast_in_dim3A_1 : vector<16xf32> to vector<1x16xf32>
      tpu.vector_store %arg9[%swap3A_42, %swap3A_43], %swap3A_46 {strides = array<i32>} : memref<32x128xf32, #tpu.memory_space<vmem>>, vector<1x16xf32>,
      %swap3A_47 = arith.index_cast %scan3A_27 : i32 to index
      %swap3A_48 = arith.constant 64 : index
      %swap3A_49 = tpu.vector_load %arg9[%swap3A_47, %swap3A_48] {strides = array<i32>} : memref<32x128xf32, #tpu.memory_space<vmem>>, vector<1x16xf32>,
      %swap3A_50 = vector.shape_cast %swap3A_49 : vector<1x16xf32> to vector<16xf32>
      %swap3A_51 = vector.shape_cast %broadcast_in_dim3A_1 : vector<16xf32> to vector<1x16xf32>
      tpu.vector_store %arg9[%swap3A_47, %swap3A_48], %swap3A_51 {strides = array<i32>} : memref<32x128xf32, #tpu.memory_space<vmem>>, vector<1x16xf32>,
      %swap3A_52 = arith.index_cast %scan3A_27 : i32 to index
      %swap3A_53 = arith.constant 80 : index
      %swap3A_54 = tpu.vector_load %arg9[%swap3A_52, %swap3A_53] {strides = array<i32>} : memref<32x128xf32, #tpu.memory_space<vmem>>, vector<1x16xf32>,
      %swap3A_55 = vector.shape_cast %swap3A_54 : vector<1x16xf32> to vector<16xf32>
      %swap3A_56 = vector.shape_cast %broadcast_in_dim3A_1 : vector<16xf32> to vector<1x16xf32>
      tpu.vector_store %arg9[%swap3A_52, %swap3A_53], %swap3A_56 {strides = array<i32>} : memref<32x128xf32, #tpu.memory_space<vmem>>, vector<1x16xf32>,
      %swap3A_57 = arith.index_cast %scan3A_27 : i32 to index
      %swap3A_58 = arith.constant 96 : index
      %swap3A_59 = tpu.vector_load %arg9[%swap3A_57, %swap3A_58] {strides = array<i32>} : memref<32x128xf32, #tpu.memory_space<vmem>>, vector<1x16xf32>,
      %swap3A_60 = vector.shape_cast %swap3A_59 : vector<1x16xf32> to vector<16xf32>
      %swap3A_61 = vector.shape_cast %broadcast_in_dim3A_1 : vector<16xf32> to vector<1x16xf32>
      tpu.vector_store %arg9[%swap3A_57, %swap3A_58], %swap3A_61 {strides = array<i32>} : memref<32x128xf32, #tpu.memory_space<vmem>>, vector<1x16xf32>,
      %swap3A_62 = arith.index_cast %scan3A_27 : i32 to index
      %swap3A_63 = arith.constant 112 : index
      %swap3A_64 = tpu.vector_load %arg9[%swap3A_62, %swap3A_63] {strides = array<i32>} : memref<32x128xf32, #tpu.memory_space<vmem>>, vector<1x16xf32>,
      %swap3A_65 = vector.shape_cast %swap3A_64 : vector<1x16xf32> to vector<16xf32>
      %swap3A_66 = vector.shape_cast %broadcast_in_dim3A_1 : vector<16xf32> to vector<1x16xf32>
      tpu.vector_store %arg9[%swap3A_62, %swap3A_63], %swap3A_66 {strides = array<i32>} : memref<32x128xf32, #tpu.memory_space<vmem>>, vector<1x16xf32>,
    }
    %scan3A_6 = arith.constant 32 : i32
    %scan3A_7 = arith.constant 0 : i32
    %scan3A_8 = arith.constant 0 : i32
    %scan3A_9 = arith.constant 20 : i32
    %scan3A_10 = arith.addi %scan3A_8, %scan3A_9 : i32
    %scan3A_11 = arith.constant 1 : i32
    scf.for %scan3A_27 = %scan3A_8 to %scan3A_10 step %scan3A_11  : i32 {
      %mul3A_28 = arith.constant 640 : i32
      %mul3A_29 = arith.muli %arg1, %mul3A_28 : i32
      %mul3A_30 = arith.constant 32 : i32
      %mul3A_31 = arith.muli %scan3A_27, %mul3A_30 : i32
      %add3A_32 = arith.addi %mul3A_29, %mul3A_31 : i32
      "tpu.region"() ({
        %run_scoped3A = tpu.sem_alloc : memref<!tpu.dma_semaphore, #tpu.memory_space<semaphore_mem>>
        %dma_start3A = arith.constant 0 : i32
        %dma_start3A_33 = tpu.memref_slice %arg10[%add3A_32, %dma_start3A] : memref<10240x128xf32, #tpu.memory_space<vmem_shared>> -> memref<32x128xf32, #tpu.memory_space<vmem_shared>>
        %dma_start3A_34 = arith.constant 0 : i32
        %dma_start3A_35 = tpu.memref_slice %arg10[%add3A_32, %dma_start3A_34] : memref<10240x128xf32, #tpu.memory_space<vmem_shared>> -> memref<32x128xf32, #tpu.memory_space<vmem_shared>>
        tpu.enqueue_dma source(%arg9 : memref<32x128xf32, #tpu.memory_space<vmem>>) target(%dma_start3A_35 : memref<32x128xf32, #tpu.memory_space<vmem_shared>>) target_semaphore(%run_scoped3A : memref<!tpu.dma_semaphore, #tpu.memory_space<semaphore_mem>>)
        %dma_wait3A = arith.constant 0 : i32
        %dma_wait3A_36 = tpu.memref_slice %arg10[%add3A_32, %dma_wait3A] : memref<10240x128xf32, #tpu.memory_space<vmem_shared>> -> memref<32x128xf32, #tpu.memory_space<vmem_shared>>
        %dma_wait3A_37 = arith.constant 0 : i32
        %dma_wait3A_38 = tpu.memref_slice %arg10[%add3A_32, %dma_wait3A_37] : memref<10240x128xf32, #tpu.memory_space<vmem_shared>> -> memref<32x128xf32, #tpu.memory_space<vmem_shared>>
        tpu.wait_dma2 semaphore(%run_scoped3A : memref<!tpu.dma_semaphore, #tpu.memory_space<semaphore_mem>>) src(%arg9 : memref<32x128xf32, #tpu.memory_space<vmem>>) dst(%dma_wait3A_38 : memref<32x128xf32, #tpu.memory_space<vmem_shared>>)
        tpu.yield
      }) : () -> ()
    }
    %scan3A_12 = arith.constant 20 : i32
    "tpu.region"() ({
      %run_scoped3A = tpu.sem_alloc : memref<!tpu.dma_semaphore, #tpu.memory_space<semaphore_mem>>
      %dma_start3A = arith.constant 0 : i32
      %dma_start3A_27 = arith.constant 0 : i32
      %dma_start3A_28 = tpu.memref_slice %arg3[%add3A, %dma_start3A, %dma_start3A_27] : memref<32x79x128xi32, #tpu.memory_space<hbm>> -> memref<1x79x128xi32, #tpu.memory_space<hbm>>
      %dma_start3A_29 = tpu.memref_squeeze %dma_start3A_28 : memref<1x79x128xi32, #tpu.memory_space<hbm>> -> memref<79x128xi32, #tpu.memory_space<hbm>>
      %dma_start3A_30 = arith.constant 0 : i32
      %dma_start3A_31 = arith.constant 0 : i32
      %dma_start3A_32 = tpu.memref_slice %arg3[%add3A, %dma_start3A_30, %dma_start3A_31] : memref<32x79x128xi32, #tpu.memory_space<hbm>> -> memref<1x79x128xi32, #tpu.memory_space<hbm>>
      %dma_start3A_33 = tpu.memref_squeeze %dma_start3A_32 : memref<1x79x128xi32, #tpu.memory_space<hbm>> -> memref<79x128xi32, #tpu.memory_space<hbm>>
      tpu.enqueue_dma source(%dma_start3A_33 : memref<79x128xi32, #tpu.memory_space<hbm>>) target(%arg6 : memref<79x128xi32, #tpu.memory_space<vmem>>) target_semaphore(%run_scoped3A : memref<!tpu.dma_semaphore, #tpu.memory_space<semaphore_mem>>)
      %dma_wait3A = arith.constant 0 : i32
      %dma_wait3A_34 = arith.constant 0 : i32
      %dma_wait3A_35 = tpu.memref_slice %arg3[%add3A, %dma_wait3A, %dma_wait3A_34] : memref<32x79x128xi32, #tpu.memory_space<hbm>> -> memref<1x79x128xi32, #tpu.memory_space<hbm>>
      %dma_wait3A_36 = tpu.memref_squeeze %dma_wait3A_35 : memref<1x79x128xi32, #tpu.memory_space<hbm>> -> memref<79x128xi32, #tpu.memory_space<hbm>>
      %dma_wait3A_37 = arith.constant 0 : i32
      %dma_wait3A_38 = arith.constant 0 : i32
      %dma_wait3A_39 = tpu.memref_slice %arg3[%add3A, %dma_wait3A_37, %dma_wait3A_38] : memref<32x79x128xi32, #tpu.memory_space<hbm>> -> memref<1x79x128xi32, #tpu.memory_space<hbm>>
      %dma_wait3A_40 = tpu.memref_squeeze %dma_wait3A_39 : memref<1x79x128xi32, #tpu.memory_space<hbm>> -> memref<79x128xi32, #tpu.memory_space<hbm>>
      tpu.wait_dma2 semaphore(%run_scoped3A : memref<!tpu.dma_semaphore, #tpu.memory_space<semaphore_mem>>) src(%dma_wait3A_40 : memref<79x128xi32, #tpu.memory_space<hbm>>) dst(%arg6 : memref<79x128xi32, #tpu.memory_space<vmem>>)
      tpu.yield
    }) : () -> ()
    "tpu.region"() ({
      %run_scoped3A = tpu.sem_alloc : memref<!tpu.dma_semaphore, #tpu.memory_space<semaphore_mem>>
      %dma_start3A = arith.constant 0 : i32
      %dma_start3A_27 = arith.constant 0 : i32
      %dma_start3A_28 = tpu.memref_slice %arg4[%add3A, %dma_start3A, %dma_start3A_27] : memref<32x79x128xi32, #tpu.memory_space<hbm>> -> memref<1x79x128xi32, #tpu.memory_space<hbm>>
      %dma_start3A_29 = tpu.memref_squeeze %dma_start3A_28 : memref<1x79x128xi32, #tpu.memory_space<hbm>> -> memref<79x128xi32, #tpu.memory_space<hbm>>
      %dma_start3A_30 = arith.constant 0 : i32
      %dma_start3A_31 = arith.constant 0 : i32
      %dma_start3A_32 = tpu.memref_slice %arg4[%add3A, %dma_start3A_30, %dma_start3A_31] : memref<32x79x128xi32, #tpu.memory_space<hbm>> -> memref<1x79x128xi32, #tpu.memory_space<hbm>>
      %dma_start3A_33 = tpu.memref_squeeze %dma_start3A_32 : memref<1x79x128xi32, #tpu.memory_space<hbm>> -> memref<79x128xi32, #tpu.memory_space<hbm>>
      tpu.enqueue_dma source(%dma_start3A_33 : memref<79x128xi32, #tpu.memory_space<hbm>>) target(%arg7 : memref<79x128xi32, #tpu.memory_space<vmem>>) target_semaphore(%run_scoped3A : memref<!tpu.dma_semaphore, #tpu.memory_space<semaphore_mem>>)
      %dma_wait3A = arith.constant 0 : i32
      %dma_wait3A_34 = arith.constant 0 : i32
      %dma_wait3A_35 = tpu.memref_slice %arg4[%add3A, %dma_wait3A, %dma_wait3A_34] : memref<32x79x128xi32, #tpu.memory_space<hbm>> -> memref<1x79x128xi32, #tpu.memory_space<hbm>>
      %dma_wait3A_36 = tpu.memref_squeeze %dma_wait3A_35 : memref<1x79x128xi32, #tpu.memory_space<hbm>> -> memref<79x128xi32, #tpu.memory_space<hbm>>
      %dma_wait3A_37 = arith.constant 0 : i32
      %dma_wait3A_38 = arith.constant 0 : i32
      %dma_wait3A_39 = tpu.memref_slice %arg4[%add3A, %dma_wait3A_37, %dma_wait3A_38] : memref<32x79x128xi32, #tpu.memory_space<hbm>> -> memref<1x79x128xi32, #tpu.memory_space<hbm>>
      %dma_wait3A_40 = tpu.memref_squeeze %dma_wait3A_39 : memref<1x79x128xi32, #tpu.memory_space<hbm>> -> memref<79x128xi32, #tpu.memory_space<hbm>>
      tpu.wait_dma2 semaphore(%run_scoped3A : memref<!tpu.dma_semaphore, #tpu.memory_space<semaphore_mem>>) src(%dma_wait3A_40 : memref<79x128xi32, #tpu.memory_space<hbm>>) dst(%arg7 : memref<79x128xi32, #tpu.memory_space<vmem>>)
      tpu.yield
    }) : () -> ()
    %barrier3A = arith.constant 0 : index
    tpu.barrier barrier_id(%barrier3A)
    %scan3A_13 = arith.constant 0 : i32
    %scan3A_14 = arith.constant 0 : i32
    %scan3A_15 = arith.constant 79 : i32
    %scan3A_16 = arith.addi %scan3A_14, %scan3A_15 : i32
    %scan3A_17 = arith.constant 1 : i32
    scf.for %scan3A_27 = %scan3A_14 to %scan3A_16 step %scan3A_17  : i32 {
      %dma_start3A = arith.constant 0 : i32
      %dma_start3A_28 = tpu.memref_slice %arg6[%scan3A_27, %dma_start3A] : memref<79x128xi32, #tpu.memory_space<vmem>> -> memref<1x128xi32, #tpu.memory_space<vmem>>
      %dma_start3A_29 = tpu.memref_squeeze %dma_start3A_28 : memref<1x128xi32, #tpu.memory_space<vmem>> -> memref<128xi32, #tpu.memory_space<vmem>>
      %dma_start3A_30 = arith.constant 0 : i32
      %dma_start3A_31 = arith.constant 0 : i32
      %dma_start3A_32 = tpu.memref_slice %arg2[%dma_start3A_30, %dma_start3A_31] : memref<10240x128xf32, #tpu.memory_space<hbm>> -> memref<10240x128xf32, #tpu.memory_space<hbm>>
      tpu.enqueue_indirect_dma source(%dma_start3A_32 : memref<10240x128xf32, #tpu.memory_space<hbm>>) target(%arg8 : memref<128x128xf32, #tpu.memory_space<vmem>>) offsets(%dma_start3A_29 : memref<128xi32, #tpu.memory_space<vmem>>) semaphore(%arg11 : memref<!tpu.dma_semaphore, #tpu.memory_space<semaphore_mem>>)
      %dma_wait3A = arith.constant 0 : i32
      %dma_wait3A_33 = tpu.memref_slice %arg6[%scan3A_27, %dma_wait3A] : memref<79x128xi32, #tpu.memory_space<vmem>> -> memref<1x128xi32, #tpu.memory_space<vmem>>
      %dma_wait3A_34 = tpu.memref_squeeze %dma_wait3A_33 : memref<1x128xi32, #tpu.memory_space<vmem>> -> memref<128xi32, #tpu.memory_space<vmem>>
      %dma_wait3A_35 = arith.constant 0 : i32
      %dma_wait3A_36 = arith.constant 0 : i32
      %dma_wait3A_37 = tpu.memref_slice %arg2[%dma_wait3A_35, %dma_wait3A_36] : memref<10240x128xf32, #tpu.memory_space<hbm>> -> memref<10240x128xf32, #tpu.memory_space<hbm>>
      tpu.wait_indirect_dma semaphore(%arg11 : memref<!tpu.dma_semaphore, #tpu.memory_space<semaphore_mem>>) src(%dma_wait3A_37 : memref<10240x128xf32, #tpu.memory_space<hbm>>) dst(%arg8 : memref<128x128xf32, #tpu.memory_space<vmem>>)
      "tpu.region"() ({
        %run_scoped3A = tpu.sem_alloc : memref<!tpu.dma_semaphore, #tpu.memory_space<semaphore_mem>>
        %dma_start3A_38 = arith.constant 0 : i32
        %dma_start3A_39 = tpu.memref_slice %arg7[%scan3A_27, %dma_start3A_38] : memref<79x128xi32, #tpu.memory_space<vmem>> -> memref<1x128xi32, #tpu.memory_space<vmem>>
        %dma_start3A_40 = tpu.memref_squeeze %dma_start3A_39 : memref<1x128xi32, #tpu.memory_space<vmem>> -> memref<128xi32, #tpu.memory_space<vmem>>
        %dma_start3A_41 = arith.constant 0 : i32
        %dma_start3A_42 = arith.constant 0 : i32
        %dma_start3A_43 = tpu.memref_slice %arg10[%dma_start3A_41, %dma_start3A_42] : memref<10240x128xf32, #tpu.memory_space<vmem_shared>> -> memref<10240x128xf32, #tpu.memory_space<vmem_shared>>
        tpu.enqueue_indirect_dma source(%arg8 : memref<128x128xf32, #tpu.memory_space<vmem>>) target(%dma_start3A_43 : memref<10240x128xf32, #tpu.memory_space<vmem_shared>>) offsets(%dma_start3A_40 : memref<128xi32, #tpu.memory_space<vmem>>) semaphore(%run_scoped3A : memref<!tpu.dma_semaphore, #tpu.memory_space<semaphore_mem>>) {add = true}
        %dma_wait3A_44 = arith.constant 0 : i32
        %dma_wait3A_45 = tpu.memref_slice %arg7[%scan3A_27, %dma_wait3A_44] : memref<79x128xi32, #tpu.memory_space<vmem>> -> memref<1x128xi32, #tpu.memory_space<vmem>>
        %dma_wait3A_46 = tpu.memref_squeeze %dma_wait3A_45 : memref<1x128xi32, #tpu.memory_space<vmem>> -> memref<128xi32, #tpu.memory_space<vmem>>
        %dma_wait3A_47 = arith.constant 0 : i32
        %dma_wait3A_48 = arith.constant 0 : i32
        %dma_wait3A_49 = tpu.memref_slice %arg10[%dma_wait3A_47, %dma_wait3A_48] : memref<10240x128xf32, #tpu.memory_space<vmem_shared>> -> memref<10240x128xf32, #tpu.memory_space<vmem_shared>>
        tpu.wait_indirect_dma semaphore(%run_scoped3A : memref<!tpu.dma_semaphore, #tpu.memory_space<semaphore_mem>>) src(%arg8 : memref<128x128xf32, #tpu.memory_space<vmem>>) dst(%dma_wait3A_49 : memref<10240x128xf32, #tpu.memory_space<vmem_shared>>)
        tpu.yield
      }) : () -> ()
    }
    %scan3A_18 = arith.constant 79 : i32
    %barrier3A_19 = arith.constant 0 : index
    tpu.barrier barrier_id(%barrier3A_19)
    %mul3A_20 = arith.constant 640 : i32
    %mul3A_21 = arith.muli %arg1, %mul3A_20 : i32
    %mul3A_22 = arith.constant 10240 : i32
    %mul3A_23 = arith.muli %arg0, %mul3A_22 : i32
    %mul3A_24 = arith.constant 640 : i32
    %mul3A_25 = arith.muli %arg1, %mul3A_24 : i32
    %add3A_26 = arith.addi %mul3A_23, %mul3A_25 : i32
    "tpu.region"() ({
      %run_scoped3A = tpu.sem_alloc : memref<!tpu.dma_semaphore, #tpu.memory_space<semaphore_mem>>
      %dma_start3A = arith.constant 0 : i32
      %dma_start3A_27 = tpu.memref_slice %arg5[%add3A_26, %dma_start3A] : memref<20480x128xf32, #tpu.memory_space<hbm>> -> memref<640x128xf32, #tpu.memory_space<hbm>>
      %dma_start3A_28 = arith.constant 0 : i32
      %dma_start3A_29 = tpu.memref_slice %arg10[%mul3A_21, %dma_start3A_28] : memref<10240x128xf32, #tpu.memory_space<vmem_shared>> -> memref<640x128xf32, #tpu.memory_space<vmem_shared>>
      tpu.enqueue_dma source(%dma_start3A_29 : memref<640x128xf32, #tpu.memory_space<vmem_shared>>) target(%dma_start3A_27 : memref<640x128xf32, #tpu.memory_space<hbm>>) target_semaphore(%run_scoped3A : memref<!tpu.dma_semaphore, #tpu.memory_space<semaphore_mem>>)
      %dma_wait3A = arith.constant 0 : i32
      %dma_wait3A_30 = tpu.memref_slice %arg5[%add3A_26, %dma_wait3A] : memref<20480x128xf32, #tpu.memory_space<hbm>> -> memref<640x128xf32, #tpu.memory_space<hbm>>
      %dma_wait3A_31 = arith.constant 0 : i32
      %dma_wait3A_32 = tpu.memref_slice %arg10[%mul3A_21, %dma_wait3A_31] : memref<10240x128xf32, #tpu.memory_space<vmem_shared>> -> memref<640x128xf32, #tpu.memory_space<vmem_shared>>
      tpu.wait_dma2 semaphore(%run_scoped3A : memref<!tpu.dma_semaphore, #tpu.memory_space<semaphore_mem>>) src(%dma_wait3A_32 : memref<640x128xf32, #tpu.memory_space<vmem_shared>>) dst(%dma_wait3A_30 : memref<640x128xf32, #tpu.memory_space<hbm>>)
      tpu.yield
    }) : () -> ()
    return
  }
}

module attributes {stable_mosaic.version = 14 : i64} {
  func.func @body(%arg0: i32, %arg1: memref<1024x128xf32, #tpu.memory_space<vmem>>, %arg2: memref<128x128xf32, #tpu.memory_space<vmem>>, %arg3: memref<128x128xf32, #tpu.memory_space<vmem>>, %arg4: memref<1x128xf32, #tpu.memory_space<vmem>>, %arg5: memref<1024x128xf32, #tpu.memory_space<vmem>>, %arg6: memref<1024x128xf32, #tpu.memory_space<vmem>>) attributes {dimension_semantics = [#tpu.dimension_semantics<arbitrary>], iteration_bounds = array<i64: 10>, scalar_prefetch = 0 : i64, scratch_operands = 0 : i64, tpu.core_type = #tpu.core_type<tc>, window_params = [{transform_indices = @transform_0, window_bounds = array<i64: 1024, 128>}, {pipeline_mode = #tpu.pipeline_mode<synchronous>, transform_indices = @transform_1, window_bounds = array<i64: 128, 128>}, {pipeline_mode = #tpu.pipeline_mode<synchronous>, transform_indices = @transform_2, window_bounds = array<i64: 128, 128>}, {pipeline_mode = #tpu.pipeline_mode<synchronous>, transform_indices = @transform_3, window_bounds = array<i64: 1, 128>}, {transform_indices = @transform_4, window_bounds = array<i64: 1024, 128>}, {transform_indices = @transform_5, window_bounds = array<i64: 1024, 128>}]} {
    %get3A = arith.constant 0 : index
    %get3A_0 = arith.constant 0 : index
    %get3A_1 = vector.load %arg1[%get3A, %get3A_0] : memref<1024x128xf32, #tpu.memory_space<vmem>>, vector<1024x128xf32>
    %get3A_2 = arith.constant 0 : index
    %get3A_3 = arith.constant 0 : index
    %get3A_4 = vector.load %arg2[%get3A_2, %get3A_3] : memref<128x128xf32, #tpu.memory_space<vmem>>, vector<128x128xf32>
    %dot_general3A = arith.constant dense<0.000000e+00> : vector<1024x128xf32>
    %dot_general3A_5 = tpu.matmul %get3A_1, %get3A_4, %dot_general3A {dimension_numbers = #tpu.dot_dimension_numbers<[1], [0], [0], [1], [0, 0, 1, 1], [], []>, transpose_lhs_hint = false} : vector<1024x128xf32>, vector<128x128xf32>, vector<1024x128xf32> -> vector<1024x128xf32>
    %swap3A = arith.constant 0 : index
    %swap3A_6 = arith.constant 0 : index
    %swap3A_7 = vector.load %arg5[%swap3A, %swap3A_6] : memref<1024x128xf32, #tpu.memory_space<vmem>>, vector<1024x128xf32>
    tpu.vector_store %arg5[%swap3A, %swap3A_6], %dot_general3A_5 {strides = array<i32>} : memref<1024x128xf32, #tpu.memory_space<vmem>>, vector<1024x128xf32>,
    %get3A_8 = arith.constant 0 : index
    %get3A_9 = arith.constant 0 : index
    %get3A_10 = vector.load %arg3[%get3A_8, %get3A_9] : memref<128x128xf32, #tpu.memory_space<vmem>>, vector<128x128xf32>
    %dot_general3A_11 = arith.constant dense<0.000000e+00> : vector<1024x128xf32>
    %dot_general3A_12 = tpu.matmul %get3A_1, %get3A_10, %dot_general3A_11 {dimension_numbers = #tpu.dot_dimension_numbers<[1], [0], [0], [1], [0, 0, 1, 1], [], []>, transpose_lhs_hint = false} : vector<1024x128xf32>, vector<128x128xf32>, vector<1024x128xf32> -> vector<1024x128xf32>
    %get3A_13 = arith.constant 0 : index
    %get3A_14 = arith.constant 0 : index
    %get3A_15 = vector.load %arg4[%get3A_13, %get3A_14] : memref<1x128xf32, #tpu.memory_space<vmem>>, vector<1x128xf32>
    %add3A = vector.broadcast %get3A_15 : vector<1x128xf32> to vector<1024x128xf32>
    %add3A_16 = arith.addf %dot_general3A_12, %add3A : vector<1024x128xf32>
    %swap3A_17 = arith.constant 0 : index
    %swap3A_18 = arith.constant 0 : index
    %swap3A_19 = vector.load %arg6[%swap3A_17, %swap3A_18] : memref<1024x128xf32, #tpu.memory_space<vmem>>, vector<1024x128xf32>
    tpu.vector_store %arg6[%swap3A_17, %swap3A_18], %add3A_16 {strides = array<i32>} : memref<1024x128xf32, #tpu.memory_space<vmem>>, vector<1024x128xf32>,
    return
  }
  func.func @transform_0(%arg0: i32) -> (i32, i32) {
    %c0_i32 = arith.constant 0 : i32
    %c0_i32_0 = arith.constant 0 : i32
    return %arg0, %c0_i32 : i32, i32
  }
  func.func @transform_1(%arg0: i32) -> (i32, i32) {
    %c0_i32 = arith.constant 0 : i32
    %c0_i32_0 = arith.constant 0 : i32
    %c0_i32_1 = arith.constant 0 : i32
    return %c0_i32, %c0_i32_0 : i32, i32
  }
  func.func @transform_2(%arg0: i32) -> (i32, i32) {
    %c0_i32 = arith.constant 0 : i32
    %c0_i32_0 = arith.constant 0 : i32
    %c0_i32_1 = arith.constant 0 : i32
    return %c0_i32, %c0_i32_0 : i32, i32
  }
  func.func @transform_3(%arg0: i32) -> (i32, i32) {
    %c0_i32 = arith.constant 0 : i32
    %c0_i32_0 = arith.constant 0 : i32
    %c0_i32_1 = arith.constant 0 : i32
    return %c0_i32, %c0_i32_0 : i32, i32
  }
  func.func @transform_4(%arg0: i32) -> (i32, i32) {
    %c0_i32 = arith.constant 0 : i32
    %c0_i32_0 = arith.constant 0 : i32
    return %arg0, %c0_i32 : i32, i32
  }
  func.func @transform_5(%arg0: i32) -> (i32, i32) {
    %c0_i32 = arith.constant 0 : i32
    %c0_i32_0 = arith.constant 0 : i32
    return %arg0, %c0_i32 : i32, i32
  }
}

module attributes {stable_mosaic.version = 14 : i64} {
  func.func @body(%arg0: i32, %arg1: memref<1024x128xf32, #tpu.memory_space<vmem>>, %arg2: memref<1024x128xf32, #tpu.memory_space<vmem>>, %arg3: memref<1024x128xf32, #tpu.memory_space<vmem>>, %arg4: memref<1x1x1024xi32, #tpu.memory_space<vmem>>, %arg5: memref<128x10xf32, #tpu.memory_space<vmem>>, %arg6: memref<1x10xf32, #tpu.memory_space<vmem>>, %arg7: memref<64x128xf32, #tpu.memory_space<vmem>>, %arg8: memref<64x10xf32, #tpu.memory_space<vmem>>, %arg9: memref<64x128xf32, #tpu.memory_space<vmem>>, %arg10: memref<64x128xf32, #tpu.memory_space<vmem>>) attributes {dimension_semantics = [#tpu.dimension_semantics<arbitrary>], iteration_bounds = array<i64: 10>, scalar_prefetch = 0 : i64, scratch_operands = 2 : i64, tpu.core_type = #tpu.core_type<tc>, window_params = [{transform_indices = @transform_0, window_bounds = array<i64: 1024, 128>}, {transform_indices = @transform_1, window_bounds = array<i64: 1024, 128>}, {transform_indices = @transform_2, window_bounds = array<i64: 1024, 128>}, {transform_indices = @transform_3, window_bounds = array<i64: 1, 1, 1024>}, {pipeline_mode = #tpu.pipeline_mode<synchronous>, transform_indices = @transform_4, window_bounds = array<i64: 128, 10>}, {pipeline_mode = #tpu.pipeline_mode<synchronous>, transform_indices = @transform_5, window_bounds = array<i64: 1, 10>}, {pipeline_mode = #tpu.pipeline_mode<synchronous>, transform_indices = @transform_6, window_bounds = array<i64: 64, 128>}, {pipeline_mode = #tpu.pipeline_mode<synchronous>, transform_indices = @transform_7, window_bounds = array<i64: 64, 10>}]} {
    %eq3A = arith.constant 0 : i32
    %eq3A_0 = arith.cmpi eq, %arg0, %eq3A : i32
    %convert_element_type3A = arith.extui %eq3A_0 : i1 to i32
    %cond3A = arith.constant 0 : i32
    %cond3A_1 = arith.cmpi ne, %convert_element_type3A, %cond3A : i32
    scf.if %cond3A_1 {
      %broadcast_in_dim3A_43 = arith.constant 0.000000e+00 : f32
      %broadcast_in_dim3A_44 = vector.broadcast %broadcast_in_dim3A_43 : f32 to vector<64x128xf32>
      %swap3A_45 = arith.constant 0 : index
      %swap3A_46 = arith.constant 0 : index
      %swap3A_47 = vector.load %arg9[%swap3A_45, %swap3A_46] : memref<64x128xf32, #tpu.memory_space<vmem>>, vector<64x128xf32>
      tpu.vector_store %arg9[%swap3A_45, %swap3A_46], %broadcast_in_dim3A_44 {strides = array<i32>} : memref<64x128xf32, #tpu.memory_space<vmem>>, vector<64x128xf32>,
      %broadcast_in_dim3A_48 = arith.constant 0.000000e+00 : f32
      %broadcast_in_dim3A_49 = vector.broadcast %broadcast_in_dim3A_48 : f32 to vector<64x128xf32>
      %swap3A_50 = arith.constant 0 : index
      %swap3A_51 = arith.constant 0 : index
      %swap3A_52 = vector.load %arg10[%swap3A_50, %swap3A_51] : memref<64x128xf32, #tpu.memory_space<vmem>>, vector<64x128xf32>
      tpu.vector_store %arg10[%swap3A_50, %swap3A_51], %broadcast_in_dim3A_49 {strides = array<i32>} : memref<64x128xf32, #tpu.memory_space<vmem>>, vector<64x128xf32>,
    } else {
    }
    %get3A = arith.constant 0 : index
    %get3A_2 = arith.constant 0 : index
    %get3A_3 = vector.load %arg1[%get3A, %get3A_2] : memref<1024x128xf32, #tpu.memory_space<vmem>>, vector<1024x128xf32>
    %get3A_4 = arith.constant 0 : index
    %get3A_5 = arith.constant 0 : index
    %get3A_6 = vector.load %arg2[%get3A_4, %get3A_5] : memref<1024x128xf32, #tpu.memory_space<vmem>>, vector<1024x128xf32>
    %add3A = arith.addf %get3A_3, %get3A_6 : vector<1024x128xf32>
    %get3A_7 = arith.constant 0 : index
    %get3A_8 = arith.constant 0 : index
    %get3A_9 = vector.load %arg3[%get3A_7, %get3A_8] : memref<1024x128xf32, #tpu.memory_space<vmem>>, vector<1024x128xf32>
    %add3A_10 = arith.addf %add3A, %get3A_9 : vector<1024x128xf32>
    %get3A_11 = arith.constant 0 : index
    %get3A_12 = arith.constant 0 : index
    %get3A_13 = arith.constant 0 : index
    %get3A_14 = vector.load %arg4[%get3A_11, %get3A_12, %get3A_13] : memref<1x1x1024xi32, #tpu.memory_space<vmem>>, vector<1x1x1024xi32>
    %get3A_15 = vector.shape_cast %get3A_14 : vector<1x1x1024xi32> to vector<1x1024xi32>
    %iota3A = tpu.iota {dimensions = array<i32: 0>} : vector<64x1xi32>
    %eq3A_16 = vector.broadcast %iota3A : vector<64x1xi32> to vector<64x1024xi32>
    %eq3A_17 = vector.broadcast %get3A_15 : vector<1x1024xi32> to vector<64x1024xi32>
    %eq3A_18 = arith.cmpi eq, %eq3A_16, %eq3A_17 : vector<64x1024xi32>
    %convert_element_type3A_19 = arith.extui %eq3A_18 : vector<64x1024xi1> to vector<64x1024xi32>
    %convert_element_type3A_20 = arith.sitofp %convert_element_type3A_19 : vector<64x1024xi32> to vector<64x1024xf32>
    %get3A_21 = arith.constant 0 : index
    %get3A_22 = arith.constant 0 : index
    %get3A_23 = vector.load %arg9[%get3A_21, %get3A_22] : memref<64x128xf32, #tpu.memory_space<vmem>>, vector<64x128xf32>
    %dot_general3A = arith.constant dense<0.000000e+00> : vector<64x128xf32>
    %dot_general3A_24 = tpu.matmul %convert_element_type3A_20, %add3A_10, %dot_general3A {dimension_numbers = #tpu.dot_dimension_numbers<[1], [0], [0], [1], [0, 0, 1, 1], [], []>, transpose_lhs_hint = false} : vector<64x1024xf32>, vector<1024x128xf32>, vector<64x128xf32> -> vector<64x128xf32>
    %add3A_25 = arith.addf %get3A_23, %dot_general3A_24 : vector<64x128xf32>
    %swap3A = arith.constant 0 : index
    %swap3A_26 = arith.constant 0 : index
    %swap3A_27 = vector.load %arg9[%swap3A, %swap3A_26] : memref<64x128xf32, #tpu.memory_space<vmem>>, vector<64x128xf32>
    tpu.vector_store %arg9[%swap3A, %swap3A_26], %add3A_25 {strides = array<i32>} : memref<64x128xf32, #tpu.memory_space<vmem>>, vector<64x128xf32>,
    %get3A_28 = arith.constant 0 : index
    %get3A_29 = arith.constant 0 : index
    %get3A_30 = vector.load %arg10[%get3A_28, %get3A_29] : memref<64x128xf32, #tpu.memory_space<vmem>>, vector<64x128xf32>
    %reduce_sum3A = arith.constant dense<0.000000e+00> : vector<64xf32>
    %reduce_sum3A_31 = vector.multi_reduction <add>, %convert_element_type3A_20, %reduce_sum3A [1] : vector<64x1024xf32> to vector<64xf32>
    %broadcast_in_dim3A = vector.shape_cast %reduce_sum3A_31 : vector<64xf32> to vector<64x1xf32>
    %broadcast_in_dim3A_32 = vector.shape_cast %broadcast_in_dim3A : vector<64x1xf32> to vector<64x1xf32>
    %broadcast_in_dim3A_33 = vector.broadcast %broadcast_in_dim3A_32 : vector<64x1xf32> to vector<64x128xf32>
    %add3A_34 = arith.addf %get3A_30, %broadcast_in_dim3A_33 : vector<64x128xf32>
    %swap3A_35 = arith.constant 0 : index
    %swap3A_36 = arith.constant 0 : index
    %swap3A_37 = vector.load %arg10[%swap3A_35, %swap3A_36] : memref<64x128xf32, #tpu.memory_space<vmem>>, vector<64x128xf32>
    tpu.vector_store %arg10[%swap3A_35, %swap3A_36], %add3A_34 {strides = array<i32>} : memref<64x128xf32, #tpu.memory_space<vmem>>, vector<64x128xf32>,
    %eq3A_38 = arith.constant 9 : i32
    %eq3A_39 = arith.cmpi eq, %arg0, %eq3A_38 : i32
    %convert_element_type3A_40 = arith.extui %eq3A_39 : i1 to i32
    %cond3A_41 = arith.constant 0 : i32
    %cond3A_42 = arith.cmpi ne, %convert_element_type3A_40, %cond3A_41 : i32
    scf.if %cond3A_42 {
      %get3A_43 = arith.constant 0 : index
      %get3A_44 = arith.constant 0 : index
      %get3A_45 = vector.load %arg9[%get3A_43, %get3A_44] : memref<64x128xf32, #tpu.memory_space<vmem>>, vector<64x128xf32>
      %get3A_46 = arith.constant 0 : index
      %get3A_47 = arith.constant 0 : index
      %get3A_48 = vector.load %arg10[%get3A_46, %get3A_47] : memref<64x128xf32, #tpu.memory_space<vmem>>, vector<64x128xf32>
      %max3A = arith.constant 1.000000e+00 : f32
      %max3A_49 = vector.broadcast %max3A : f32 to vector<64x128xf32>
      %max3A_50 = arith.maximumf %get3A_48, %max3A_49 : vector<64x128xf32>
      %div3A = arith.divf %get3A_45, %max3A_50 : vector<64x128xf32>
      %swap3A_51 = arith.constant 0 : index
      %swap3A_52 = arith.constant 0 : index
      %swap3A_53 = vector.load %arg7[%swap3A_51, %swap3A_52] : memref<64x128xf32, #tpu.memory_space<vmem>>, vector<64x128xf32>
      tpu.vector_store %arg7[%swap3A_51, %swap3A_52], %div3A {strides = array<i32>} : memref<64x128xf32, #tpu.memory_space<vmem>>, vector<64x128xf32>,
      %get3A_54 = arith.constant 0 : index
      %get3A_55 = arith.constant 0 : index
      %get3A_56 = vector.load %arg5[%get3A_54, %get3A_55] : memref<128x10xf32, #tpu.memory_space<vmem>>, vector<128x10xf32>
      %dot_general3A_57 = arith.constant dense<0.000000e+00> : vector<64x10xf32>
      %dot_general3A_58 = tpu.matmul %div3A, %get3A_56, %dot_general3A_57 {dimension_numbers = #tpu.dot_dimension_numbers<[1], [0], [0], [1], [0, 0, 1, 1], [], []>, transpose_lhs_hint = false} : vector<64x128xf32>, vector<128x10xf32>, vector<64x10xf32> -> vector<64x10xf32>
      %get3A_59 = arith.constant 0 : index
      %get3A_60 = arith.constant 0 : index
      %get3A_61 = vector.load %arg6[%get3A_59, %get3A_60] : memref<1x10xf32, #tpu.memory_space<vmem>>, vector<1x10xf32>
      %add3A_62 = vector.broadcast %get3A_61 : vector<1x10xf32> to vector<64x10xf32>
      %add3A_63 = arith.addf %dot_general3A_58, %add3A_62 : vector<64x10xf32>
      %swap3A_64 = arith.constant 0 : index
      %swap3A_65 = arith.constant 0 : index
      %swap3A_66 = vector.load %arg8[%swap3A_64, %swap3A_65] : memref<64x10xf32, #tpu.memory_space<vmem>>, vector<64x10xf32>
      tpu.vector_store %arg8[%swap3A_64, %swap3A_65], %add3A_63 {strides = array<i32>} : memref<64x10xf32, #tpu.memory_space<vmem>>, vector<64x10xf32>,
    } else {
    }
    return
  }
  func.func @transform_0(%arg0: i32) -> (i32, i32) {
    %c0_i32 = arith.constant 0 : i32
    %c0_i32_0 = arith.constant 0 : i32
    return %arg0, %c0_i32 : i32, i32
  }
  func.func @transform_1(%arg0: i32) -> (i32, i32) {
    %add3A = arith.constant 10 : i32
    %add3A_0 = arith.addi %arg0, %add3A : i32
    %c0_i32 = arith.constant 0 : i32
    %c0_i32_1 = arith.constant 0 : i32
    return %add3A_0, %c0_i32 : i32, i32
  }
  func.func @transform_2(%arg0: i32) -> (i32, i32) {
    %c0_i32 = arith.constant 0 : i32
    %c0_i32_0 = arith.constant 0 : i32
    return %arg0, %c0_i32 : i32, i32
  }
  func.func @transform_3(%arg0: i32) -> (i32, i32, i32) {
    %c0_i32 = arith.constant 0 : i32
    %c0_i32_0 = arith.constant 0 : i32
    %c0_i32_1 = arith.constant 0 : i32
    return %arg0, %c0_i32, %c0_i32_0 : i32, i32, i32
  }
  func.func @transform_4(%arg0: i32) -> (i32, i32) {
    %c0_i32 = arith.constant 0 : i32
    %c0_i32_0 = arith.constant 0 : i32
    %c0_i32_1 = arith.constant 0 : i32
    return %c0_i32, %c0_i32_0 : i32, i32
  }
  func.func @transform_5(%arg0: i32) -> (i32, i32) {
    %c0_i32 = arith.constant 0 : i32
    %c0_i32_0 = arith.constant 0 : i32
    %c0_i32_1 = arith.constant 0 : i32
    return %c0_i32, %c0_i32_0 : i32, i32
  }
  func.func @transform_6(%arg0: i32) -> (i32, i32) {
    %c0_i32 = arith.constant 0 : i32
    %c0_i32_0 = arith.constant 0 : i32
    %c0_i32_1 = arith.constant 0 : i32
    return %c0_i32, %c0_i32_0 : i32, i32
  }
  func.func @transform_7(%arg0: i32) -> (i32, i32) {
    %c0_i32 = arith.constant 0 : i32
    %c0_i32_0 = arith.constant 0 : i32
    %c0_i32_1 = arith.constant 0 : i32
    return %c0_i32, %c0_i32_0 : i32, i32
  }
}

module attributes {stable_mosaic.version = 14 : i64} {
  func.func @body(%arg0: i32, %arg1: memref<1024x128xf32, #tpu.memory_space<vmem>>, %arg2: memref<1024x128xf32, #tpu.memory_space<vmem>>, %arg3: memref<1024x128xf32, #tpu.memory_space<vmem>>, %arg4: memref<128x128xf32, #tpu.memory_space<vmem>>, %arg5: memref<128x128xf32, #tpu.memory_space<vmem>>, %arg6: memref<1x128xf32, #tpu.memory_space<vmem>>, %arg7: memref<1024x128xf32, #tpu.memory_space<vmem>>, %arg8: memref<1024x128xf32, #tpu.memory_space<vmem>>) attributes {dimension_semantics = [#tpu.dimension_semantics<arbitrary>], iteration_bounds = array<i64: 10>, scalar_prefetch = 0 : i64, scratch_operands = 0 : i64, tpu.core_type = #tpu.core_type<tc>, window_params = [{transform_indices = @transform_0, window_bounds = array<i64: 1024, 128>}, {transform_indices = @transform_1, window_bounds = array<i64: 1024, 128>}, {transform_indices = @transform_2, window_bounds = array<i64: 1024, 128>}, {pipeline_mode = #tpu.pipeline_mode<synchronous>, transform_indices = @transform_3, window_bounds = array<i64: 128, 128>}, {pipeline_mode = #tpu.pipeline_mode<synchronous>, transform_indices = @transform_4, window_bounds = array<i64: 128, 128>}, {pipeline_mode = #tpu.pipeline_mode<synchronous>, transform_indices = @transform_5, window_bounds = array<i64: 1, 128>}, {transform_indices = @transform_6, window_bounds = array<i64: 1024, 128>}, {transform_indices = @transform_7, window_bounds = array<i64: 1024, 128>}]} {
    %get3A = arith.constant 0 : index
    %get3A_0 = arith.constant 0 : index
    %get3A_1 = vector.load %arg1[%get3A, %get3A_0] : memref<1024x128xf32, #tpu.memory_space<vmem>>, vector<1024x128xf32>
    %get3A_2 = arith.constant 0 : index
    %get3A_3 = arith.constant 0 : index
    %get3A_4 = vector.load %arg2[%get3A_2, %get3A_3] : memref<1024x128xf32, #tpu.memory_space<vmem>>, vector<1024x128xf32>
    %add3A = arith.addf %get3A_1, %get3A_4 : vector<1024x128xf32>
    %get3A_5 = arith.constant 0 : index
    %get3A_6 = arith.constant 0 : index
    %get3A_7 = vector.load %arg3[%get3A_5, %get3A_6] : memref<1024x128xf32, #tpu.memory_space<vmem>>, vector<1024x128xf32>
    %add3A_8 = arith.addf %add3A, %get3A_7 : vector<1024x128xf32>
    %max3A = arith.constant 0.000000e+00 : f32
    %max3A_9 = vector.broadcast %max3A : f32 to vector<1024x128xf32>
    %max3A_10 = arith.maximumf %add3A_8, %max3A_9 : vector<1024x128xf32>
    %get3A_11 = arith.constant 0 : index
    %get3A_12 = arith.constant 0 : index
    %get3A_13 = vector.load %arg4[%get3A_11, %get3A_12] : memref<128x128xf32, #tpu.memory_space<vmem>>, vector<128x128xf32>
    %dot_general3A = arith.constant dense<0.000000e+00> : vector<1024x128xf32>
    %dot_general3A_14 = tpu.matmul %max3A_10, %get3A_13, %dot_general3A {dimension_numbers = #tpu.dot_dimension_numbers<[1], [0], [0], [1], [0, 0, 1, 1], [], []>, transpose_lhs_hint = false} : vector<1024x128xf32>, vector<128x128xf32>, vector<1024x128xf32> -> vector<1024x128xf32>
    %swap3A = arith.constant 0 : index
    %swap3A_15 = arith.constant 0 : index
    %swap3A_16 = vector.load %arg7[%swap3A, %swap3A_15] : memref<1024x128xf32, #tpu.memory_space<vmem>>, vector<1024x128xf32>
    tpu.vector_store %arg7[%swap3A, %swap3A_15], %dot_general3A_14 {strides = array<i32>} : memref<1024x128xf32, #tpu.memory_space<vmem>>, vector<1024x128xf32>,
    %get3A_17 = arith.constant 0 : index
    %get3A_18 = arith.constant 0 : index
    %get3A_19 = vector.load %arg5[%get3A_17, %get3A_18] : memref<128x128xf32, #tpu.memory_space<vmem>>, vector<128x128xf32>
    %dot_general3A_20 = arith.constant dense<0.000000e+00> : vector<1024x128xf32>
    %dot_general3A_21 = tpu.matmul %max3A_10, %get3A_19, %dot_general3A_20 {dimension_numbers = #tpu.dot_dimension_numbers<[1], [0], [0], [1], [0, 0, 1, 1], [], []>, transpose_lhs_hint = false} : vector<1024x128xf32>, vector<128x128xf32>, vector<1024x128xf32> -> vector<1024x128xf32>
    %get3A_22 = arith.constant 0 : index
    %get3A_23 = arith.constant 0 : index
    %get3A_24 = vector.load %arg6[%get3A_22, %get3A_23] : memref<1x128xf32, #tpu.memory_space<vmem>>, vector<1x128xf32>
    %add3A_25 = vector.broadcast %get3A_24 : vector<1x128xf32> to vector<1024x128xf32>
    %add3A_26 = arith.addf %dot_general3A_21, %add3A_25 : vector<1024x128xf32>
    %swap3A_27 = arith.constant 0 : index
    %swap3A_28 = arith.constant 0 : index
    %swap3A_29 = vector.load %arg8[%swap3A_27, %swap3A_28] : memref<1024x128xf32, #tpu.memory_space<vmem>>, vector<1024x128xf32>
    tpu.vector_store %arg8[%swap3A_27, %swap3A_28], %add3A_26 {strides = array<i32>} : memref<1024x128xf32, #tpu.memory_space<vmem>>, vector<1024x128xf32>,
    return
  }
  func.func @transform_0(%arg0: i32) -> (i32, i32) {
    %c0_i32 = arith.constant 0 : i32
    %c0_i32_0 = arith.constant 0 : i32
    return %arg0, %c0_i32 : i32, i32
  }
  func.func @transform_1(%arg0: i32) -> (i32, i32) {
    %add3A = arith.constant 10 : i32
    %add3A_0 = arith.addi %arg0, %add3A : i32
    %c0_i32 = arith.constant 0 : i32
    %c0_i32_1 = arith.constant 0 : i32
    return %add3A_0, %c0_i32 : i32, i32
  }
  func.func @transform_2(%arg0: i32) -> (i32, i32) {
    %c0_i32 = arith.constant 0 : i32
    %c0_i32_0 = arith.constant 0 : i32
    return %arg0, %c0_i32 : i32, i32
  }
  func.func @transform_3(%arg0: i32) -> (i32, i32) {
    %c0_i32 = arith.constant 0 : i32
    %c0_i32_0 = arith.constant 0 : i32
    %c0_i32_1 = arith.constant 0 : i32
    return %c0_i32, %c0_i32_0 : i32, i32
  }
  func.func @transform_4(%arg0: i32) -> (i32, i32) {
    %c0_i32 = arith.constant 0 : i32
    %c0_i32_0 = arith.constant 0 : i32
    %c0_i32_1 = arith.constant 0 : i32
    return %c0_i32, %c0_i32_0 : i32, i32
  }
  func.func @transform_5(%arg0: i32) -> (i32, i32) {
    %c0_i32 = arith.constant 0 : i32
    %c0_i32_0 = arith.constant 0 : i32
    %c0_i32_1 = arith.constant 0 : i32
    return %c0_i32, %c0_i32_0 : i32, i32
  }
  func.func @transform_6(%arg0: i32) -> (i32, i32) {
    %c0_i32 = arith.constant 0 : i32
    %c0_i32_0 = arith.constant 0 : i32
    return %arg0, %c0_i32 : i32, i32
  }
  func.func @transform_7(%arg0: i32) -> (i32, i32) {
    %c0_i32 = arith.constant 0 : i32
    %c0_i32_0 = arith.constant 0 : i32
    return %arg0, %c0_i32 : i32, i32
  }
}

</mosaic_0001>

<sc_bundles>
// kernel: kernel.12.cloned.1.call-start
scs
__scs_entry_jumppad:
0x0: {  	(pc) =	sbr.rel $0x88, $3  }
0x1: {  	(tag) =	ssettag $0x0;
	lr =	simm.s32 $0x1  }
0x2: {  	[smem:$0x3F93] =	sst lr;
	_ =	strace $0xD0000000  }
0x3: {  	_ = 	snop  }
0x4: {  	_ = 	snop  }
0x5: {  	_ = 	snop  }
0x6: {  	_ = 	snop  }
0x7: {  	_ = 	snop  }
__scs_overlays_trampoline_lowered:
0x8: {  	[smem:$0x3FA2] =	sst s0  }
0x9: {  	[smem:$0x3FA3] =	sst s1  }
0xa: {  	[smem:$0x3FA4] =	sst s2  }
0xb: {  	[smem:$0x3FA5] =	sst s3  }
0xc: {  	[smem:$0x3FA6] =	sst s4  }
0xd: {  	[smem:$0x3FA7] =	sst s5  }
0xe: {  	[smem:$0x3FA8] =	sst s6  }
0xf: {  	[smem:$0x3FA9] =	sst s7  }
0x10: {  	[smem:$0x3FAA] =	sst s8  }
0x11: {  	[smem:$0x3FAB] =	sst s9;
	s0 =	simm.s32 @!p0 $0x0  }
0x12: {  	s1 =	sld [smem:$0x3F91];
	s0 =	simm.s32 @p0 $0x1  }
0x13: {  	[smem:$0x3FAC] =	sst s0;
	s0 =	simm.s32 @!p1 $0x0  }
0x14: {  	s2 =	sld [smem:$0x3F90];
	s0 =	simm.s32 @p1 $0x1  }
0x15: {  	[smem:$0x3FAD] =	sst s0;
	s0 =	simm.s32 @!p2 $0x0  }
0x16: {  	s3 =	sld [smem:$0x3FDB];
	s0 =	simm.s32 @p2 $0x1  }
0x17: {  	s4 =	simm.s32 $0x1BF5;
	[smem:$0x3FAF] =	sst s0  }
0x18: {  	s0 =	sld [smem:$0x3F92];
	_ =	swait.ge [sflag:s4], $0x0  }
0x19: {  	s7 =	sld [smem:$0x3F93]  }
0x1a: {  	s8 =	sadd.s32 $0xFFFFE003, lr  }
0x1b: {  	s9 =	sadd.s32 $0xFFFFFEF7, lr;
	s5 =	simm.s32 $0xFFFFFFFF;
	p2 =	slt.u32 s8, $0xFFFFF086  }
0x1c: {  	p1 =	slt.u32 s9, $0xF7A;
	s5 =	simm.s32 @!p2 $0x0  }
0x1d: {  	s5 =	simm.s32 @p1 $0x1;
	p0 =	seq.s32 s7, s2  }
0x1e: {  	s7 =	smul.u32 @!p0 $0xF7A, s2;
	p2 =	seq.s32 @!p0 s5, $0x0  }
0x1f: {  	s9 =	smul.u32 $0xF7A, s1;
	s8 =	simm.s32 @!p0 $0x1BF5;
	p2 =	por !p2, p0  }
0x20: {  	[sflag:s8] =	ssyncset.s32 @!p0 $0xFFFFF086;
	s6 =	sadd.s32 @!p0 s3, s7;
	s7 =	simm.s32 @!p0 $0x108  }
0x21: {  	s3 =	sadd.s32 s3, s9;
	s6 =	sadd.s32 @!p0 $0x88, s6;
	s7 =	simm.s32 @p2 $0x1082  }
0x22: {  	[simem:s7], [sflag:s8] =	dma.local @!p0 [hbm:s6], $0xF7A  }
0x23: {  	s9 =	sor.u32 $0xD0000000, s2;
	s6 =	simm.s32 $0x108;
	_ =	swait.ge @!p0 [sflag:s8], $0x0  }
0x24: {  	s3 =	sadd.s32 $0x88, s3;
	s6 =	simm.s32 @!p1 $0x1082;
	[sflag:s4] =	ssyncset.s32 $0xFFFFF086  }
0x25: {  	[simem:s6], [sflag:s4] =	dma.local [hbm:s3], $0xF7A  }
0x26: {  	[smem:$0x3F93] =	sst s1;
	(tag) =	ssettag s2;
	_ =	strace s9  }
0x27: {  	s1 =	sld [smem:$0x3FA3]  }
0x28: {  	s2 =	sld [smem:$0x3FA4]  }
0x29: {  	s4 =	sld [smem:$0x3FA6]  }
0x2a: {  	p0 =	seq.s32 s5, $0x0;
	s5 =	sld [smem:$0x3FA7]  }
0x2b: {  	s6 =	sld [smem:$0x3FA8]  }
0x2c: {  	s7 =	sld [smem:$0x3FA9]  }
0x2d: {  	s3 =	simm.s32 $0x108;
	s8 =	sld [smem:$0x3FAA]  }
0x2e: {  	s3 =	simm.s32 @!p0 $0x1082;
	s9 =	sld [smem:$0x3FAB]  }
0x2f: {  	lr =	sadd.s32 s0, s3;
	s0 =	sld [smem:$0x3FA2]  }
0x30: {  	s3 =	sld [smem:$0x3FA5]  }
0x31: {  	[smem:$0x3FAE] =	sst s10  }
0x32: {  	s10 =	sld [smem:$0x3FAC];
	_ =	sdelay $0x3  }
0x33: {  	p0 =	seq.s32 s10, $0x1;
	s10 =	sld [smem:$0x3FAE];
	_ =	sdelay $0x3  }
0x34: {  	[smem:$0x3FAE] =	sst s10  }
0x35: {  	s10 =	sld [smem:$0x3FAD];
	_ =	sdelay $0x3  }
0x36: {  	p1 =	seq.s32 s10, $0x1;
	s10 =	sld [smem:$0x3FAE];
	_ =	sdelay $0x3  }
0x37: {  	[smem:$0x3FAE] =	sst s10  }
0x38: {  	s10 =	sld [smem:$0x3FAF]  }
0x39: {  	_ = 	snop;
	(pc) =	sbr.ind lr, $3  }
0x3a: {  	_ = 	snop  }
0x3b: {  	_ = 	snop  }
0x3c: {  	p2 =	seq.s32 s10, $0x1;
	s10 =	sld [smem:$0x3FAE]  }
0x3d: {  	_ =	shalt  }
0x3e: {  	_ =	shalt  }
0x3f: {  	_ =	shalt  }
0x40: {  	_ =	shalt  }
0x41: {  	_ =	shalt  }
0x42: {  	_ =	shalt  }
0x43: {  	_ =	shalt  }
0x44: {  	_ =	shalt  }
0x45: {  	_ =	shalt  }
0x46: {  	_ =	shalt  }
0x47: {  	_ =	shalt  }
0x48: {  	_ =	shalt  }
0x49: {  	_ =	shalt  }
0x4a: {  	_ =	shalt  }
0x4b: {  	_ =	shalt  }
0x4c: {  	_ =	shalt  }
0x4d: {  	_ =	shalt  }
0x4e: {  	_ =	shalt  }
0x4f: {  	_ =	shalt  }
0x50: {  	_ =	shalt  }
0x51: {  	_ =	shalt  }
0x52: {  	_ =	shalt  }
0x53: {  	_ =	shalt  }
0x54: {  	_ =	shalt  }
0x55: {  	_ =	shalt  }
0x56: {  	_ =	shalt  }
0x57: {  	_ =	shalt  }
0x58: {  	_ =	shalt  }
0x59: {  	_ =	shalt  }
0x5a: {  	_ =	shalt  }
0x5b: {  	_ =	shalt  }
0x5c: {  	_ =	shalt  }
0x5d: {  	_ =	shalt  }
0x5e: {  	_ =	shalt  }
0x5f: {  	_ =	shalt  }
0x60: {  	_ =	shalt  }
0x61: {  	_ =	shalt  }
0x62: {  	_ =	shalt  }
0x63: {  	_ =	shalt  }
0x64: {  	_ =	shalt  }
0x65: {  	_ =	shalt  }
0x66: {  	_ =	shalt  }
0x67: {  	_ =	shalt  }
0x68: {  	_ =	shalt  }
0x69: {  	_ =	shalt  }
0x6a: {  	_ =	shalt  }
0x6b: {  	_ =	shalt  }
0x6c: {  	_ =	shalt  }
0x6d: {  	_ =	shalt  }
0x6e: {  	_ =	shalt  }
0x6f: {  	_ =	shalt  }
0x70: {  	_ =	shalt  }
0x71: {  	_ =	shalt  }
0x72: {  	_ =	shalt  }
0x73: {  	_ =	shalt  }
0x74: {  	_ =	shalt  }
0x75: {  	_ =	shalt  }
0x76: {  	_ =	shalt  }
0x77: {  	_ =	shalt  }
0x78: {  	_ =	shalt  }
0x79: {  	_ =	shalt  }
0x7a: {  	_ =	shalt  }
0x7b: {  	_ =	shalt  }
0x7c: {  	_ =	shalt  }
0x7d: {  	_ =	shalt  }
0x7e: {  	_ =	shalt  }
0x7f: {  	_ =	shalt  }
0x80: {  	_ =	shalt  }
0x81: {  	_ =	shalt  }
0x82: {  	_ =	shalt  }
0x83: {  	_ =	shalt  }
0x84: {  	_ =	shalt  }
0x85: {  	_ =	shalt  }
0x86: {  	_ =	shalt  }
0x87: {  	_ =	shalt  }
.Lfunc_end0:
.L_simem_size_0:
called_computation.1_lowered:
.L_overlay_start_0:
0x88: {  	s2 =	sld [smem:$0x3FD9]  }
0x89: {  	s3 =	sld [smem:$0x3FFE];
	_ =	sdelay $0x1  }
0x8a: {  	s1 =	srdreg.scid  }
0x8b: {  	s0 =	sand.u32 $0x1, s1  }
0x8c: {  	s16 =	sshll.u32 s0, $0xA;
	s2 =	sadd.s32 s3, s2  }
0x8d: {  	s2 =	sadd.s32 s2, s16  }
0x8e: {  	[smem:$0x3FBA] =	sst s2  }
0x8f: {  	_ = 	snop  }
0x90: {  	(tm) =	ssettm $0x1  }
0x91: {  	s17 =	sld [smem:$0x3FFB];
	_ =	sdelay $0x3  }
0x92: {  	_ =	strace s17  }
0x93: {  	s2 =	sld [smem:$0x3FFC];
	_ =	sdelay $0x3  }
0x94: {  	_ =	strace s2  }
0x95: {  	s2 =	sld [smem:$0x3FFD];
	_ =	sdelay $0x3  }
0x96: {  	_ =	strace s2  }
0x97: {  	_ =	strace $0x8FFFFFFF  }
0x98: {  	s18 =	sld [smem:$0x3FDB];
	_ =	sdelay $0x1  }
0x99: {  	s19 =	simm.s32 $_scs_section_size  }
0x9a: {  	s4 =	simm.s32 $_size__tile_overlayer_lowered;
	s5 =	simm.s32 $_tile_overlayer_lowered  }
0x9b: {  	s22 =	simm.s32 $0x1BFF;
	s21 =	sshll.u32 s5, $0x1;
	s2 =	sadd.s32 s19, s18  }
0x9c: {  	s6 =	simm.s32 $0x0;
	s20 =	sshll.u32 s4, $0x1;
	s4 =	sadd.s32 s21, s2  }
0x9d: {  	[timem:s6], [sflag:s22] =	dma.local [hbm:s4], s20  }
0x9e: {  	_ =	swait.ge [sflag:s22], s20  }
0x9f: {  	s3 =	ssub.s32 $0x0, s20;
	[sflag:s22] =	ssyncset.done $0x0  }
0xa0: {  	[sflag:s22] =	ssyncadd.s32 s3;
	_ =	sdelay $0x1  }
0xa1: {  	s23 =	simm.s32 $0x1B8B  }
0xa2: {  	_ =	swait.ge [sflag:s23], $0x1  }
0xa3: {  	[sflag:s23] =	ssyncset.done $0x0  }
0xa4: {  	s25 =	simm.s32 $0x1B8E;
	s24 =	sld [smem:$0x3FFE];
	[sflag:s23] =	ssyncadd.s32 $0xFFFFFFFF  }
0xa5: {  	s26 =	simm.s32 $execute0_lowered;
	[smem:$0x3FD2] =	sst s25  }
0xa6: {  	s4 =	sshll.u32 s26, $0x1;
	_ =	strace $0x80000049;
	[dreg:$0x1] =	wrdreg $0xFFFFFFFF  }
0xa7: {  	s28 =	simm.s32 $_size_execute0_lowered;
	s2 =	sadd.s32 s2, s4;
	[dreg:$0x0] =	wrdreg $0x0  }
0xa8: {  	s4 =	sshll.u32 s28, $0x1;
	[dreg:$0x2] =	wrdreg s2  }
0xa9: {  	[dreg:$0x3] =	wrdreg s4  }
0xaa: {  	[dreg:$0x4] =	wrdreg $0xC0  }
0xab: {  	_ =	task [dreg:s6], $0x5FFFF  }
0xac: {  	[dreg:$0x1] =	wrdreg $0xFFFFFFFF  }
0xad: {  	[dreg:$0x0] =	wrdreg $0x60  }
0xae: {  	[dreg:$0x2] =	wrdreg s24  }
0xaf: {  	[dreg:$0x3] =	wrdreg $0xA0000  }
0xb0: {  	[dreg:$0x4] =	wrdreg $0x9  }
0xb1: {  	_ =	task.clear_ibuf [dreg:s6], $0x5FFFF;
	_ =	strace $0x90000049  }
0xb2: {  	s29 =	simm.s32 $0x9;
	_ =	strace $0x8000004B  }
0xb3: {  	_ =	swait.ge [sflag:s29], $0x1  }
0xb4: {  	[sflag:s29] =	ssyncadd.s32 $0xFFFFFFFF  }
0xb5: {  	_ =	strace $0x9000004B  }
0xb6: {  	_ =	sfence  }
0xb7: {  	s30 =	sld [smem:$0x0];
	_ =	sdelay $0x2  }
0xb8: {  	s31 =	sshll.u32 s1, $0xD;
	s1 =	sshrl.u32 s1, $0x2  }
0xb9: {  	s3 =	sand.u32 $0x4000, s31;
	s1 =	sadd.s32 s1, s30  }
0xba: {  	s0 =	sor.u32 s3, s0;
	s1 =	sshll.u32 s1, $0x11  }
0xbb: {  	s0 =	sor.u32 s1, s0  }
0xbc: {  	s0 =	sadd.s32 $0x8F2B, s0  }
0xbd: {  	[sflag:s0] =	ssyncadd.remote.s32 $0x1  }
0xbe: {  	_ =	sfence.sel $0xFFFF  }
0xbf: {  	[dreg:$0x0] =	wrdreg $0xFFFFFFFF;
	(pc) =	sbr.abs _section_cstart, $3  }
0xc0: {  	[dreg:$0x1] =	wrdreg $0xFFFFFFFF  }
0xc1: {  	_ =	task.clear_ibuf [dreg:s6], $0x2FFFF;
	_ =	strace $0x9FFFFFFF  }
0xc2: {  	(tm) =	ssettm $0x7FFFFFFF  }
0xc3: {  	_ =	shalt  }
tec
execute0_lowered:
.L_overlay_start_1:
0x0: {  	(tag) =	ssettag $0x1  }
0x1: {  	s0 =	srdreg.scid;
	s1 =	rddreg [dreg:$0x0]  }
0x2: {  	s8 =	stileid.u32;
	s2 =	rddreg [dreg:$0x1];
	s30 =	simm.s32 $0x9000  }
0x3: {  	s31 =	simm.s32 $0x2;
	s0 =	sand.u32 $0x1, s0;
	s7 =	smul.u32 $0x2800, s8  }
0x4: {  	s3 =	sshll.u32 s0, $0x4;
	s6 =	smul.u32 $0x28000, s0;
	s0 =	ssub.s32 $0x2, s0  }
0x5: {  	s4 =	sor.u32 s8, s3;
	s3 =	simm.s32 $0x0;
	s8 =	smul.u32 $0x50000, s8  }
0x6: {  	s22 =	sshrl.u32 s0, $0x1;
	s5 =	smul.u32 $0x500, s4;
	[smem:$0x7FF] =	sst s3  }
0x7: {  	s4 =	sadd.s32 $0x17400, s1;
	s21 =	sadd.s32 s7, s6;
	s0 =	ssub.s32 s0, s22  }
0x8: {  	s6 =	simm.s32 $0x1;
	_ =	strace $0x8000004A;
	s23 =	sshrl.u32 s8, $0x2  }
0x9: {  	s0 =	smax.u32 s0, $0x1;
	s9 =	sadd.s32 s5, s1;
	s1 =	sadd.s32 s21, s1  }
0xa: {  	s5 =	sadd.s32 s23, s2;
	[dreg:$0x6] =	wrdreg s0;
	s0 =	simm.s32 $0x80  }
0xb: {  	s24 =	sadd.s32 $0x3400, s9;
	s25 =	sadd.s32 $0xD400, s9;
	s1 =	sadd.s32 $0x3F400, s1  }
0xc: {  	s26 =	sadd.s32 $0x1000, s5;
	s11 =	sadd.s32 $0x2000, s5;
	s12 =	sadd.s32 $0x3000, s5  }
0xd: {  	s13 =	sadd.s32 $0x4000, s5;
	s14 =	sadd.s32 $0x5000, s5;
	s15 =	sadd.s32 $0x6000, s5  }
0xe: {  	s16 =	sadd.s32 $0x7000, s5;
	s17 =	sadd.s32 $0x8000, s5;
	s18 =	sadd.s32 $0x9000, s5  }
0xf: {  	s19 =	sadd.s32 $0xA000, s5;
	s20 =	sadd.s32 $0xB000, s5;
	[dreg:$0x3] =	wrdreg s24  }
0x10: {  	s21 =	sadd.s32 $0xC000, s5;
	s22 =	sadd.s32 $0xD000, s5;
	[dreg:$0x4] =	wrdreg s25  }
0x11: {  	s23 =	sadd.s32 $0xE000, s5;
	s28 =	sadd.s32 $0x12000, s5;
	[dreg:$0x5] =	wrdreg s1  }
0x12: {  	s29 =	sadd.s32 $0x13000, s5;
	[dreg:$0x7] =	wrdreg s26;
	s24 =	sadd.s32 $0xF000, s5  }
0x13: {  	v0 =	vimm.f32 $0.0e+00;
	s25 =	sadd.s32 $0x10000, s5;
	s26 =	sadd.s32 $0x11000, s5;
	s1 =	simm.s32 $0x5000  }
.LBB2_1:
0x14: {  	s7 =	simm.s32 $0x0;
	s8 =	simm.s32 $0x200  }
.LBB2_2:
0x15: {  	p0 =	sne.s32 s8, $0x3E00;
	[tilespmem:s7+$0x9070] =	vst v0  }
0x16: {  	[tilespmem:s7+$0x9000] =	vst v0  }
0x17: {  	[tilespmem:s7+$0x9010] =	vst v0  }
.Ltmp0:
0x18: {  	[tilespmem:s7+$0x9020] =	vst v0;
	(pc) =	sbr.rel @p0 .LBB2_2-.Ltmp0, $4  }
0x19: {  	[tilespmem:s7+$0x9030] =	vst v0  }
0x1a: {  	[tilespmem:s7+$0x9040] =	vst v0  }
0x1b: {  	[tilespmem:s7+$0x9050] =	vst v0  }
0x1c: {  	[tilespmem:s7+$0x9060] =	vst v0;
	s7 =	sshra.s32 s8, $0x2;
	s8 =	sadd.s32 $0x200, s8  }
0x1d: {  	[tilespmem:s7+$0x9070] =	vst v0  }
0x1e: {  	[tilespmem:s7+$0x9000] =	vst v0  }
0x1f: {  	[tilespmem:s7+$0x9010] =	vst v0  }
0x20: {  	[tilespmem:s7+$0x9020] =	vst v0  }
0x21: {  	[tilespmem:s7+$0x9030] =	vst v0  }
0x22: {  	[tilespmem:s7+$0x9040] =	vst v0  }
0x23: {  	[tilespmem:s7+$0x9050] =	vst v0  }
0x24: {  	[tilespmem:s7+$0x9060] =	vst v0  }
0x25: {  	[spmem:s5] =	stream.linear.scatter [tilespmem:s30], [sflag:$0x2], $0x1000, $0x38;
	[tilespmem:$0x1E000] =	vst v63  }
0x26: {  	_ =	swait.ge [sflag:s31], $0x1000  }
0x27: {  	[sflag:s31] =	ssyncset.done $0x0  }
0x28: {  	s9 =	rddreg [dreg:$0x7];
	[sflag:s31] =	ssyncadd.s32 $0xFFFFF000  }
0x29: {  	[spmem:s9] =	stream.linear.scatter [tilespmem:s30], [sflag:$0x2], $0x1000, $0x38;
	[tilespmem:$0x1E000] =	vst v63  }
0x2a: {  	_ =	swait.ge [sflag:s31], $0x1000  }
0x2b: {  	[sflag:s31] =	ssyncset.done $0x0  }
0x2c: {  	[sflag:s31] =	ssyncadd.s32 $0xFFFFF000  }
0x2d: {  	[spmem:s11] =	stream.linear.scatter [tilespmem:s30], [sflag:$0x2], $0x1000, $0x38;
	[tilespmem:$0x1E000] =	vst v63  }
0x2e: {  	_ =	swait.ge [sflag:s31], $0x1000  }
0x2f: {  	[sflag:s31] =	ssyncset.done $0x0  }
0x30: {  	[sflag:s31] =	ssyncadd.s32 $0xFFFFF000  }
0x31: {  	[spmem:s12] =	stream.linear.scatter [tilespmem:s30], [sflag:$0x2], $0x1000, $0x38;
	[tilespmem:$0x1E000] =	vst v63  }
0x32: {  	_ =	swait.ge [sflag:s31], $0x1000  }
0x33: {  	[sflag:s31] =	ssyncset.done $0x0  }
0x34: {  	[sflag:s31] =	ssyncadd.s32 $0xFFFFF000  }
0x35: {  	[spmem:s13] =	stream.linear.scatter [tilespmem:s30], [sflag:$0x2], $0x1000, $0x38;
	[tilespmem:$0x1E000] =	vst v63  }
0x36: {  	_ =	swait.ge [sflag:s31], $0x1000  }
0x37: {  	[sflag:s31] =	ssyncset.done $0x0  }
0x38: {  	[sflag:s31] =	ssyncadd.s32 $0xFFFFF000  }
0x39: {  	[spmem:s14] =	stream.linear.scatter [tilespmem:s30], [sflag:$0x2], $0x1000, $0x38;
	[tilespmem:$0x1E000] =	vst v63  }
0x3a: {  	_ =	swait.ge [sflag:s31], $0x1000  }
0x3b: {  	[sflag:s31] =	ssyncset.done $0x0  }
0x3c: {  	[sflag:s31] =	ssyncadd.s32 $0xFFFFF000  }
0x3d: {  	[spmem:s15] =	stream.linear.scatter [tilespmem:s30], [sflag:$0x2], $0x1000, $0x38;
	[tilespmem:$0x1E000] =	vst v63  }
0x3e: {  	_ =	swait.ge [sflag:s31], $0x1000  }
0x3f: {  	[sflag:s31] =	ssyncset.done $0x0  }
0x40: {  	[sflag:s31] =	ssyncadd.s32 $0xFFFFF000  }
0x41: {  	[spmem:s16] =	stream.linear.scatter [tilespmem:s30], [sflag:$0x2], $0x1000, $0x38;
	[tilespmem:$0x1E000] =	vst v63  }
0x42: {  	_ =	swait.ge [sflag:s31], $0x1000  }
0x43: {  	[sflag:s31] =	ssyncset.done $0x0  }
0x44: {  	[sflag:s31] =	ssyncadd.s32 $0xFFFFF000  }
0x45: {  	[spmem:s17] =	stream.linear.scatter [tilespmem:s30], [sflag:$0x2], $0x1000, $0x38;
	[tilespmem:$0x1E000] =	vst v63  }
0x46: {  	_ =	swait.ge [sflag:s31], $0x1000  }
0x47: {  	[sflag:s31] =	ssyncset.done $0x0  }
0x48: {  	[sflag:s31] =	ssyncadd.s32 $0xFFFFF000  }
0x49: {  	[spmem:s18] =	stream.linear.scatter [tilespmem:s30], [sflag:$0x2], $0x1000, $0x38;
	[tilespmem:$0x1E000] =	vst v63  }
0x4a: {  	_ =	swait.ge [sflag:s31], $0x1000  }
0x4b: {  	[sflag:s31] =	ssyncset.done $0x0  }
0x4c: {  	[sflag:s31] =	ssyncadd.s32 $0xFFFFF000  }
0x4d: {  	[spmem:s19] =	stream.linear.scatter [tilespmem:s30], [sflag:$0x2], $0x1000, $0x38;
	[tilespmem:$0x1E000] =	vst v63  }
0x4e: {  	_ =	swait.ge [sflag:s31], $0x1000  }
0x4f: {  	[sflag:s31] =	ssyncset.done $0x0  }
0x50: {  	[sflag:s31] =	ssyncadd.s32 $0xFFFFF000  }
0x51: {  	[spmem:s20] =	stream.linear.scatter [tilespmem:s30], [sflag:$0x2], $0x1000, $0x38;
	[tilespmem:$0x1E000] =	vst v63  }
0x52: {  	_ =	swait.ge [sflag:s31], $0x1000  }
0x53: {  	[sflag:s31] =	ssyncset.done $0x0  }
0x54: {  	[sflag:s31] =	ssyncadd.s32 $0xFFFFF000  }
0x55: {  	[spmem:s21] =	stream.linear.scatter [tilespmem:s30], [sflag:$0x2], $0x1000, $0x38;
	[tilespmem:$0x1E000] =	vst v63  }
0x56: {  	_ =	swait.ge [sflag:s31], $0x1000  }
0x57: {  	[sflag:s31] =	ssyncset.done $0x0  }
0x58: {  	[sflag:s31] =	ssyncadd.s32 $0xFFFFF000  }
0x59: {  	[spmem:s22] =	stream.linear.scatter [tilespmem:s30], [sflag:$0x2], $0x1000, $0x38;
	[tilespmem:$0x1E000] =	vst v63  }
0x5a: {  	_ =	swait.ge [sflag:s31], $0x1000  }
0x5b: {  	[sflag:s31] =	ssyncset.done $0x0  }
0x5c: {  	[sflag:s31] =	ssyncadd.s32 $0xFFFFF000  }
0x5d: {  	[spmem:s23] =	stream.linear.scatter [tilespmem:s30], [sflag:$0x2], $0x1000, $0x38;
	[tilespmem:$0x1E000] =	vst v63  }
0x5e: {  	_ =	swait.ge [sflag:s31], $0x1000  }
0x5f: {  	[sflag:s31] =	ssyncset.done $0x0  }
0x60: {  	[sflag:s31] =	ssyncadd.s32 $0xFFFFF000  }
0x61: {  	[spmem:s24] =	stream.linear.scatter [tilespmem:s30], [sflag:$0x2], $0x1000, $0x38;
	[tilespmem:$0x1E000] =	vst v63  }
0x62: {  	_ =	swait.ge [sflag:s31], $0x1000  }
0x63: {  	[sflag:s31] =	ssyncset.done $0x0  }
0x64: {  	[sflag:s31] =	ssyncadd.s32 $0xFFFFF000  }
0x65: {  	[spmem:s25] =	stream.linear.scatter [tilespmem:s30], [sflag:$0x2], $0x1000, $0x38;
	[tilespmem:$0x1E000] =	vst v63  }
0x66: {  	_ =	swait.ge [sflag:s31], $0x1000  }
0x67: {  	[sflag:s31] =	ssyncset.done $0x0  }
0x68: {  	[sflag:s31] =	ssyncadd.s32 $0xFFFFF000  }
0x69: {  	[spmem:s26] =	stream.linear.scatter [tilespmem:s30], [sflag:$0x2], $0x1000, $0x38;
	[tilespmem:$0x1E000] =	vst v63  }
0x6a: {  	_ =	swait.ge [sflag:s31], $0x1000  }
0x6b: {  	[sflag:s31] =	ssyncset.done $0x0  }
0x6c: {  	[sflag:s31] =	ssyncadd.s32 $0xFFFFF000  }
0x6d: {  	[spmem:s28] =	stream.linear.scatter [tilespmem:s30], [sflag:$0x2], $0x1000, $0x38;
	[tilespmem:$0x1E000] =	vst v63  }
0x6e: {  	_ =	swait.ge [sflag:s31], $0x1000  }
0x6f: {  	[sflag:s31] =	ssyncset.done $0x0  }
0x70: {  	[sflag:s31] =	ssyncadd.s32 $0xFFFFF000  }
0x71: {  	[spmem:s29] =	stream.linear.scatter [tilespmem:s30], [sflag:$0x2], $0x1000, $0x38;
	[tilespmem:$0x1E000] =	vst v63  }
0x72: {  	_ =	swait.ge [sflag:s31], $0x1000  }
0x73: {  	[sflag:s31] =	ssyncset.done $0x0  }
0x74: {  	s7 =	simm.s32 $0x0;
	s8 =	rddreg [dreg:$0x3];
	[sflag:s31] =	ssyncadd.s32 $0xFFFFF000  }
0x75: {  	[tilespmem:s7], [sflag:$0x2] =	stream.linear.gather [hbm4b:s8+s7], $0x2780, $0x38;
	[tilespmem:$0x1E000] =	vst v63  }
0x76: {  	_ =	swait.ge [sflag:s31], $0x2780  }
0x77: {  	[sflag:s31] =	ssyncset.done $0x0  }
0x78: {  	s9 =	simm.s32 $0x2800;
	s10 =	rddreg [dreg:$0x4];
	[sflag:s31] =	ssyncadd.s32 $0xFFFFD880  }
0x79: {  	[tilespmem:s9], [sflag:$0x2] =	stream.linear.gather [hbm4b:s10+s7], $0x2780, $0x38;
	[tilespmem:$0x1E000] =	vst v63  }
0x7a: {  	_ =	swait.ge [sflag:s31], $0x2780  }
0x7b: {  	[sflag:s31] =	ssyncset.done $0x0  }
0x7c: {  	[sflag:s31] =	ssyncadd.s32 $0xFFFFD880  }
0x7d: {  	s9 =	simm.s32 $0x0;
	[bflag:$0x0] =	sbarrier.arrive $0xFFFF  }
0x7e: {  	[tilespmem:s1], [sflag:$0x1] =	stream.indirect.gather [hbm4b:s4+s0], $0x80, s9, s0, $0xb8;
	[tilespmem:$0x1E000] =	vst v63  }
0x7f: {  	_ =	swait.ge [sflag:s6], $0x4000  }
0x80: {  	[sflag:s6] =	ssyncset.done $0x0  }
0x81: {  	s10 =	simm.s32 $0x2800;
	[sflag:s6] =	ssyncadd.s32 $0xFFFFC000  }
0x82: {  	[spmem:s2] =	stream.indirect.scatter.add.f32 [tilespmem:s1], [sflag:$0x2], $0x80, s10, s0, $0xb8;
	[tilespmem:$0x1E000] =	vst v63  }
0x83: {  	_ =	swait.ge [sflag:s31], $0x4000  }
0x84: {  	s8 =	simm.s32 $0x400;
	s7 =	simm.s32 $0x200;
	[sflag:s31] =	ssyncset.done $0x0  }
.LBB2_4:
0x85: {  	s9 =	sshra.s32 s7, $0x2  }
0x86: {  	[sflag:s31] =	ssyncadd.s32 $0xFFFFC000;
	s7 =	smov.u32 s8;
	s10 =	sadd.s32 $0x200, s8  }
0x87: {  	[tilespmem:s1], [sflag:$0x1] =	stream.indirect.gather [hbm4b:s4+s0], $0x80, s9, s0, $0xb8;
	[tilespmem:$0x1E000] =	vst v63  }
0x88: {  	p0 =	sne.s32 s8, $0x9C00;
	_ =	swait.ge [sflag:s6], $0x4000  }
.Ltmp1:
0x89: {  	[sflag:s6] =	ssyncset.done $0x0;
	(pc) =	sbr.rel @p0 .LBB2_4-.Ltmp1, $4  }
0x8a: {  	s8 =	sadd.s32 $0x2800, s9;
	[sflag:s6] =	ssyncadd.s32 $0xFFFFC000  }
0x8b: {  	[spmem:s2] =	stream.indirect.scatter.add.f32 [tilespmem:s1], [sflag:$0x2], $0x80, s8, s0, $0xb8;
	[tilespmem:$0x1E000] =	vst v63  }
0x8c: {  	_ =	swait.ge [sflag:s31], $0x4000  }
0x8d: {  	s8 =	smov.u32 s10;
	[sflag:s31] =	ssyncset.done $0x0  }
0x8e: {  	s7 =	sshra.s32 s7, $0x2;
	[sflag:s31] =	ssyncadd.s32 $0xFFFFC000  }
0x8f: {  	[tilespmem:s1], [sflag:$0x1] =	stream.indirect.gather [hbm4b:s4+s0], $0x80, s7, s0, $0xb8;
	[tilespmem:$0x1E000] =	vst v63  }
0x90: {  	_ =	swait.ge [sflag:s6], $0x4000  }
0x91: {  	[sflag:s6] =	ssyncset.done $0x0  }
0x92: {  	s7 =	sadd.s32 $0x2800, s7;
	[sflag:s6] =	ssyncadd.s32 $0xFFFFC000  }
0x93: {  	[spmem:s2] =	stream.indirect.scatter.add.f32 [tilespmem:s1], [sflag:$0x2], $0x80, s7, s0, $0xb8;
	[tilespmem:$0x1E000] =	vst v63  }
0x94: {  	_ =	swait.ge [sflag:s31], $0x4000  }
0x95: {  	[sflag:s31] =	ssyncset.done $0x0  }
0x96: {  	s9 =	stileid.u32;
	[sflag:s31] =	ssyncadd.s32 $0xFFFFC000  }
0x97: {  	s7 =	sshll.u32 s9, $0x6;
	[bflag:$0x0] =	sbarrier.arrive $0xFFFF  }
0x98: {  	s8 =	sshrl.u32 s5, $0x3;
	s7 =	sor.u32 $0x1C02, s7;
	s9 =	rddreg [dreg:$0x5]  }
0x99: {  	[hbm:s9], [sflag:s7] =	dma.local [spmem:s8], $0x2800  }
0x9a: {  	_ =	swait.ge [sflag:s31], $0x2800  }
0x9b: {  	s3 =	sadd.s32 $0x1, s3;
	s10 =	rddreg [dreg:$0x6]  }
0x9c: {  	p0 =	sne.s32 s3, s10  }
.Ltmp2:
0x9d: {  	_ = 	snop;
	(pc) =	sbr.rel @p0 .LBB2_1-.Ltmp2, $3  }
0x9e: {  	_ =	sdelay $0x1  }
0x9f: {  	[sflag:s31] =	ssyncset.done $0x0  }
0xa0: {  	[sflag:s31] =	ssyncadd.s32 $0xFFFFD800  }
0xa1: {  	_ =	sfence.sel $0x180000  }
0xa2: {  	[bflag:$0x0] =	sbarrier.arrive $0xFFFF  }
0xa3: {  	_ =	strace $0x9000004A  }
0xa4: {  	s0 =	stileid.u32;
	[bflag:$0x2] =	sbarrier.arrive $0xFFFF  }
0xa5: {  	p0 =	sne.s32 s0, $0x0;
	s0 =	rddreg [dreg:$0x2]  }
0xa6: {  	s0 =	sadd.s32 @!p0 $0x100000, s0  }
0xa7: {  	[sflag:s0] =	ssyncadd.tile.s32 @!p0 $0x1;
	_ =	shalt  }
.Lfunc_end2:
_tile_overlayer_lowered:
.L_overlay_start_2:
0xa8: {  	(tag) =	ssettag $0x2  }
0xa9: {  	s0 =	rddreg [dreg:$0x0];
	s2 =	stileid.u32  }
0xaa: {  	s1 =	rddreg [dreg:$0x1];
	p0 =	sne.s32 s2, $0x0  }
0xab: {  	s3 =	rddreg [dreg:$0x2];
	[bflag:$0x3] =	sbarrier.arrive $0xFFFF;
	s2 =	simm.s32 @!p0 $0x1C02  }
0xac: {  	[timem:s3], [sflag:s2] =	dma.local @!p0 [hbm:s0], s1  }
0xad: {  	s0 =	simm.s32 @!p0 $0x2  }
0xae: {  	_ =	swait.ge @!p0 [sflag:s0], s1  }
0xaf: {  	s1 =	ssub.s32 @!p0 $0x0, s1;
	[sflag:s0] =	ssyncset.done @!p0 $0x0  }
0xb0: {  	[sflag:s0] =	ssyncadd.s32 @!p0 s1  }
0xb1: {  	[bflag:$0x3] =	sbarrier.arrive $0xFFFF  }
0xb2: {  	_ =	shalt  }

// kernel: kernel.15.cloned.1.call-start
scs
__scs_entry_jumppad:
0x0: {  	(pc) =	sbr.rel $0x88, $3  }
0x1: {  	(tag) =	ssettag $0x0;
	lr =	simm.s32 $0x1  }
0x2: {  	[smem:$0x3F93] =	sst lr;
	_ =	strace $0xD0000000  }
0x3: {  	_ = 	snop  }
0x4: {  	_ = 	snop  }
0x5: {  	_ = 	snop  }
0x6: {  	_ = 	snop  }
0x7: {  	_ = 	snop  }
__scs_overlays_trampoline_lowered:
0x8: {  	[smem:$0x3FA2] =	sst s0  }
0x9: {  	[smem:$0x3FA3] =	sst s1  }
0xa: {  	[smem:$0x3FA4] =	sst s2  }
0xb: {  	[smem:$0x3FA5] =	sst s3  }
0xc: {  	[smem:$0x3FA6] =	sst s4  }
0xd: {  	[smem:$0x3FA7] =	sst s5  }
0xe: {  	[smem:$0x3FA8] =	sst s6  }
0xf: {  	[smem:$0x3FA9] =	sst s7  }
0x10: {  	[smem:$0x3FAA] =	sst s8  }
0x11: {  	[smem:$0x3FAB] =	sst s9;
	s0 =	simm.s32 @!p0 $0x0  }
0x12: {  	s1 =	sld [smem:$0x3F91];
	s0 =	simm.s32 @p0 $0x1  }
0x13: {  	[smem:$0x3FAC] =	sst s0;
	s0 =	simm.s32 @!p1 $0x0  }
0x14: {  	s2 =	sld [smem:$0x3F90];
	s0 =	simm.s32 @p1 $0x1  }
0x15: {  	[smem:$0x3FAD] =	sst s0;
	s0 =	simm.s32 @!p2 $0x0  }
0x16: {  	s3 =	sld [smem:$0x3FDB];
	s0 =	simm.s32 @p2 $0x1  }
0x17: {  	s4 =	simm.s32 $0x1BF5;
	[smem:$0x3FAF] =	sst s0  }
0x18: {  	s0 =	sld [smem:$0x3F92];
	_ =	swait.ge [sflag:s4], $0x0  }
0x19: {  	s7 =	sld [smem:$0x3F93]  }
0x1a: {  	s8 =	sadd.s32 $0xFFFFE003, lr  }
0x1b: {  	s9 =	sadd.s32 $0xFFFFFEF7, lr;
	s5 =	simm.s32 $0xFFFFFFFF;
	p2 =	slt.u32 s8, $0xFFFFF086  }
0x1c: {  	p1 =	slt.u32 s9, $0xF7A;
	s5 =	simm.s32 @!p2 $0x0  }
0x1d: {  	s5 =	simm.s32 @p1 $0x1;
	p0 =	seq.s32 s7, s2  }
0x1e: {  	s7 =	smul.u32 @!p0 $0xF7A, s2;
	p2 =	seq.s32 @!p0 s5, $0x0  }
0x1f: {  	s9 =	smul.u32 $0xF7A, s1;
	s8 =	simm.s32 @!p0 $0x1BF5;
	p2 =	por !p2, p0  }
0x20: {  	[sflag:s8] =	ssyncset.s32 @!p0 $0xFFFFF086;
	s6 =	sadd.s32 @!p0 s3, s7;
	s7 =	simm.s32 @!p0 $0x108  }
0x21: {  	s3 =	sadd.s32 s3, s9;
	s6 =	sadd.s32 @!p0 $0x88, s6;
	s7 =	simm.s32 @p2 $0x1082  }
0x22: {  	[simem:s7], [sflag:s8] =	dma.local @!p0 [hbm:s6], $0xF7A  }
0x23: {  	s9 =	sor.u32 $0xD0000000, s2;
	s6 =	simm.s32 $0x108;
	_ =	swait.ge @!p0 [sflag:s8], $0x0  }
0x24: {  	s3 =	sadd.s32 $0x88, s3;
	s6 =	simm.s32 @!p1 $0x1082;
	[sflag:s4] =	ssyncset.s32 $0xFFFFF086  }
0x25: {  	[simem:s6], [sflag:s4] =	dma.local [hbm:s3], $0xF7A  }
0x26: {  	[smem:$0x3F93] =	sst s1;
	(tag) =	ssettag s2;
	_ =	strace s9  }
0x27: {  	s1 =	sld [smem:$0x3FA3]  }
0x28: {  	s2 =	sld [smem:$0x3FA4]  }
0x29: {  	s4 =	sld [smem:$0x3FA6]  }
0x2a: {  	p0 =	seq.s32 s5, $0x0;
	s5 =	sld [smem:$0x3FA7]  }
0x2b: {  	s6 =	sld [smem:$0x3FA8]  }
0x2c: {  	s7 =	sld [smem:$0x3FA9]  }
0x2d: {  	s3 =	simm.s32 $0x108;
	s8 =	sld [smem:$0x3FAA]  }
0x2e: {  	s3 =	simm.s32 @!p0 $0x1082;
	s9 =	sld [smem:$0x3FAB]  }
0x2f: {  	lr =	sadd.s32 s0, s3;
	s0 =	sld [smem:$0x3FA2]  }
0x30: {  	s3 =	sld [smem:$0x3FA5]  }
0x31: {  	[smem:$0x3FAE] =	sst s10  }
0x32: {  	s10 =	sld [smem:$0x3FAC];
	_ =	sdelay $0x3  }
0x33: {  	p0 =	seq.s32 s10, $0x1;
	s10 =	sld [smem:$0x3FAE];
	_ =	sdelay $0x3  }
0x34: {  	[smem:$0x3FAE] =	sst s10  }
0x35: {  	s10 =	sld [smem:$0x3FAD];
	_ =	sdelay $0x3  }
0x36: {  	p1 =	seq.s32 s10, $0x1;
	s10 =	sld [smem:$0x3FAE];
	_ =	sdelay $0x3  }
0x37: {  	[smem:$0x3FAE] =	sst s10  }
0x38: {  	s10 =	sld [smem:$0x3FAF]  }
0x39: {  	_ = 	snop;
	(pc) =	sbr.ind lr, $3  }
0x3a: {  	_ = 	snop  }
0x3b: {  	_ = 	snop  }
0x3c: {  	p2 =	seq.s32 s10, $0x1;
	s10 =	sld [smem:$0x3FAE]  }
0x3d: {  	_ =	shalt  }
0x3e: {  	_ =	shalt  }
0x3f: {  	_ =	shalt  }
0x40: {  	_ =	shalt  }
0x41: {  	_ =	shalt  }
0x42: {  	_ =	shalt  }
0x43: {  	_ =	shalt  }
0x44: {  	_ =	shalt  }
0x45: {  	_ =	shalt  }
0x46: {  	_ =	shalt  }
0x47: {  	_ =	shalt  }
0x48: {  	_ =	shalt  }
0x49: {  	_ =	shalt  }
0x4a: {  	_ =	shalt  }
0x4b: {  	_ =	shalt  }
0x4c: {  	_ =	shalt  }
0x4d: {  	_ =	shalt  }
0x4e: {  	_ =	shalt  }
0x4f: {  	_ =	shalt  }
0x50: {  	_ =	shalt  }
0x51: {  	_ =	shalt  }
0x52: {  	_ =	shalt  }
0x53: {  	_ =	shalt  }
0x54: {  	_ =	shalt  }
0x55: {  	_ =	shalt  }
0x56: {  	_ =	shalt  }
0x57: {  	_ =	shalt  }
0x58: {  	_ =	shalt  }
0x59: {  	_ =	shalt  }
0x5a: {  	_ =	shalt  }
0x5b: {  	_ =	shalt  }
0x5c: {  	_ =	shalt  }
0x5d: {  	_ =	shalt  }
0x5e: {  	_ =	shalt  }
0x5f: {  	_ =	shalt  }
0x60: {  	_ =	shalt  }
0x61: {  	_ =	shalt  }
0x62: {  	_ =	shalt  }
0x63: {  	_ =	shalt  }
0x64: {  	_ =	shalt  }
0x65: {  	_ =	shalt  }
0x66: {  	_ =	shalt  }
0x67: {  	_ =	shalt  }
0x68: {  	_ =	shalt  }
0x69: {  	_ =	shalt  }
0x6a: {  	_ =	shalt  }
0x6b: {  	_ =	shalt  }
0x6c: {  	_ =	shalt  }
0x6d: {  	_ =	shalt  }
0x6e: {  	_ =	shalt  }
0x6f: {  	_ =	shalt  }
0x70: {  	_ =	shalt  }
0x71: {  	_ =	shalt  }
0x72: {  	_ =	shalt  }
0x73: {  	_ =	shalt  }
0x74: {  	_ =	shalt  }
0x75: {  	_ =	shalt  }
0x76: {  	_ =	shalt  }
0x77: {  	_ =	shalt  }
0x78: {  	_ =	shalt  }
0x79: {  	_ =	shalt  }
0x7a: {  	_ =	shalt  }
0x7b: {  	_ =	shalt  }
0x7c: {  	_ =	shalt  }
0x7d: {  	_ =	shalt  }
0x7e: {  	_ =	shalt  }
0x7f: {  	_ =	shalt  }
0x80: {  	_ =	shalt  }
0x81: {  	_ =	shalt  }
0x82: {  	_ =	shalt  }
0x83: {  	_ =	shalt  }
0x84: {  	_ =	shalt  }
0x85: {  	_ =	shalt  }
0x86: {  	_ =	shalt  }
0x87: {  	_ =	shalt  }
.Lfunc_end0:
.L_simem_size_0:
called_computation.2_lowered:
.L_overlay_start_0:
0x88: {  	s2 =	sld [smem:$0x3FD9]  }
0x89: {  	s3 =	sld [smem:$0x3FFE];
	_ =	sdelay $0x1  }
0x8a: {  	s1 =	srdreg.scid  }
0x8b: {  	s0 =	sand.u32 $0x1, s1  }
0x8c: {  	s16 =	sshll.u32 s0, $0xA;
	s2 =	sadd.s32 s3, s2  }
0x8d: {  	s2 =	sadd.s32 s2, s16  }
0x8e: {  	[smem:$0x3FBA] =	sst s2  }
0x8f: {  	_ = 	snop  }
0x90: {  	(tm) =	ssettm $0x1  }
0x91: {  	s17 =	sld [smem:$0x3FFB];
	_ =	sdelay $0x3  }
0x92: {  	_ =	strace s17  }
0x93: {  	s2 =	sld [smem:$0x3FFC];
	_ =	sdelay $0x3  }
0x94: {  	_ =	strace s2  }
0x95: {  	s2 =	sld [smem:$0x3FFD];
	_ =	sdelay $0x3  }
0x96: {  	_ =	strace s2  }
0x97: {  	_ =	strace $0x8FFFFFFF  }
0x98: {  	s18 =	sld [smem:$0x3FDB];
	_ =	sdelay $0x1  }
0x99: {  	s19 =	simm.s32 $_scs_section_size  }
0x9a: {  	s4 =	simm.s32 $_size__tile_overlayer_lowered;
	s5 =	simm.s32 $_tile_overlayer_lowered  }
0x9b: {  	s22 =	simm.s32 $0x1BFF;
	s21 =	sshll.u32 s5, $0x1;
	s2 =	sadd.s32 s19, s18  }
0x9c: {  	s6 =	simm.s32 $0x0;
	s20 =	sshll.u32 s4, $0x1;
	s4 =	sadd.s32 s21, s2  }
0x9d: {  	[timem:s6], [sflag:s22] =	dma.local [hbm:s4], s20  }
0x9e: {  	_ =	swait.ge [sflag:s22], s20  }
0x9f: {  	s3 =	ssub.s32 $0x0, s20;
	[sflag:s22] =	ssyncset.done $0x0  }
0xa0: {  	[sflag:s22] =	ssyncadd.s32 s3;
	_ =	sdelay $0x1  }
0xa1: {  	s23 =	simm.s32 $0x1B8B  }
0xa2: {  	_ =	swait.ge [sflag:s23], $0x1  }
0xa3: {  	[sflag:s23] =	ssyncset.done $0x0  }
0xa4: {  	s25 =	simm.s32 $0x1B8E;
	s24 =	sld [smem:$0x3FFE];
	[sflag:s23] =	ssyncadd.s32 $0xFFFFFFFF  }
0xa5: {  	s26 =	simm.s32 $execute0_lowered;
	[smem:$0x3FD2] =	sst s25  }
0xa6: {  	s4 =	sshll.u32 s26, $0x1;
	_ =	strace $0x8000004C;
	[dreg:$0x1] =	wrdreg $0xFFFFFFFF  }
0xa7: {  	s28 =	simm.s32 $_size_execute0_lowered;
	s2 =	sadd.s32 s2, s4;
	[dreg:$0x0] =	wrdreg $0x0  }
0xa8: {  	s4 =	sshll.u32 s28, $0x1;
	[dreg:$0x2] =	wrdreg s2  }
0xa9: {  	[dreg:$0x3] =	wrdreg s4  }
0xaa: {  	[dreg:$0x4] =	wrdreg $0xC0  }
0xab: {  	_ =	task [dreg:s6], $0x5FFFF  }
0xac: {  	[dreg:$0x1] =	wrdreg $0xFFFFFFFF  }
0xad: {  	[dreg:$0x0] =	wrdreg $0x60  }
0xae: {  	[dreg:$0x2] =	wrdreg s24  }
0xaf: {  	[dreg:$0x3] =	wrdreg $0xA0000  }
0xb0: {  	[dreg:$0x4] =	wrdreg $0x9  }
0xb1: {  	_ =	task.clear_ibuf [dreg:s6], $0x5FFFF;
	_ =	strace $0x9000004C  }
0xb2: {  	s29 =	simm.s32 $0x9;
	_ =	strace $0x8000004E  }
0xb3: {  	_ =	swait.ge [sflag:s29], $0x1  }
0xb4: {  	[sflag:s29] =	ssyncadd.s32 $0xFFFFFFFF  }
0xb5: {  	_ =	strace $0x9000004E  }
0xb6: {  	_ =	sfence  }
0xb7: {  	s30 =	sld [smem:$0x0];
	_ =	sdelay $0x2  }
0xb8: {  	s31 =	sshll.u32 s1, $0xD;
	s1 =	sshrl.u32 s1, $0x2  }
0xb9: {  	s3 =	sand.u32 $0x4000, s31;
	s1 =	sadd.s32 s1, s30  }
0xba: {  	s0 =	sor.u32 s3, s0;
	s1 =	sshll.u32 s1, $0x11  }
0xbb: {  	s0 =	sor.u32 s1, s0  }
0xbc: {  	s0 =	sadd.s32 $0x8F2B, s0  }
0xbd: {  	[sflag:s0] =	ssyncadd.remote.s32 $0x1  }
0xbe: {  	_ =	sfence.sel $0xFFFF  }
0xbf: {  	[dreg:$0x0] =	wrdreg $0xFFFFFFFF;
	(pc) =	sbr.abs _section_cstart, $3  }
0xc0: {  	[dreg:$0x1] =	wrdreg $0xFFFFFFFF  }
0xc1: {  	_ =	task.clear_ibuf [dreg:s6], $0x2FFFF;
	_ =	strace $0x9FFFFFFF  }
0xc2: {  	(tm) =	ssettm $0x7FFFFFFF  }
0xc3: {  	_ =	shalt  }
tec
execute0_lowered:
.L_overlay_start_1:
0x0: {  	(tag) =	ssettag $0x1  }
0x1: {  	s0 =	srdreg.scid;
	s1 =	rddreg [dreg:$0x0]  }
0x2: {  	s8 =	stileid.u32;
	s2 =	rddreg [dreg:$0x1];
	s30 =	simm.s32 $0x9000  }
0x3: {  	s31 =	simm.s32 $0x2;
	s0 =	sand.u32 $0x1, s0;
	s7 =	smul.u32 $0x2800, s8  }
0x4: {  	s3 =	sshll.u32 s0, $0x4;
	s6 =	smul.u32 $0x28000, s0;
	s0 =	ssub.s32 $0x2, s0  }
0x5: {  	s4 =	sor.u32 s8, s3;
	s3 =	simm.s32 $0x0;
	s8 =	smul.u32 $0x50000, s8  }
0x6: {  	s22 =	sshrl.u32 s0, $0x1;
	s5 =	smul.u32 $0x500, s4;
	[smem:$0x7FF] =	sst s3  }
0x7: {  	s4 =	sadd.s32 $0x17400, s1;
	s21 =	sadd.s32 s7, s6;
	s0 =	ssub.s32 s0, s22  }
0x8: {  	s6 =	simm.s32 $0x1;
	_ =	strace $0x8000004D;
	s23 =	sshrl.u32 s8, $0x2  }
0x9: {  	s0 =	smax.u32 s0, $0x1;
	s9 =	sadd.s32 s5, s1;
	s1 =	sadd.s32 s21, s1  }
0xa: {  	s5 =	sadd.s32 s23, s2;
	[dreg:$0x6] =	wrdreg s0;
	s0 =	simm.s32 $0x80  }
0xb: {  	s24 =	sadd.s32 $0x3400, s9;
	s25 =	sadd.s32 $0xD400, s9;
	s1 =	sadd.s32 $0x3F400, s1  }
0xc: {  	s26 =	sadd.s32 $0x1000, s5;
	s11 =	sadd.s32 $0x2000, s5;
	s12 =	sadd.s32 $0x3000, s5  }
0xd: {  	s13 =	sadd.s32 $0x4000, s5;
	s14 =	sadd.s32 $0x5000, s5;
	s15 =	sadd.s32 $0x6000, s5  }
0xe: {  	s16 =	sadd.s32 $0x7000, s5;
	s17 =	sadd.s32 $0x8000, s5;
	s18 =	sadd.s32 $0x9000, s5  }
0xf: {  	s19 =	sadd.s32 $0xA000, s5;
	s20 =	sadd.s32 $0xB000, s5;
	[dreg:$0x3] =	wrdreg s24  }
0x10: {  	s21 =	sadd.s32 $0xC000, s5;
	s22 =	sadd.s32 $0xD000, s5;
	[dreg:$0x4] =	wrdreg s25  }
0x11: {  	s23 =	sadd.s32 $0xE000, s5;
	s28 =	sadd.s32 $0x12000, s5;
	[dreg:$0x5] =	wrdreg s1  }
0x12: {  	s29 =	sadd.s32 $0x13000, s5;
	[dreg:$0x7] =	wrdreg s26;
	s24 =	sadd.s32 $0xF000, s5  }
0x13: {  	v0 =	vimm.f32 $0.0e+00;
	s25 =	sadd.s32 $0x10000, s5;
	s26 =	sadd.s32 $0x11000, s5;
	s1 =	simm.s32 $0x5000  }
.LBB2_1:
0x14: {  	s7 =	simm.s32 $0x0;
	s8 =	simm.s32 $0x200  }
.LBB2_2:
0x15: {  	p0 =	sne.s32 s8, $0x3E00;
	[tilespmem:s7+$0x9070] =	vst v0  }
0x16: {  	[tilespmem:s7+$0x9000] =	vst v0  }
0x17: {  	[tilespmem:s7+$0x9010] =	vst v0  }
.Ltmp0:
0x18: {  	[tilespmem:s7+$0x9020] =	vst v0;
	(pc) =	sbr.rel @p0 .LBB2_2-.Ltmp0, $4  }
0x19: {  	[tilespmem:s7+$0x9030] =	vst v0  }
0x1a: {  	[tilespmem:s7+$0x9040] =	vst v0  }
0x1b: {  	[tilespmem:s7+$0x9050] =	vst v0  }
0x1c: {  	[tilespmem:s7+$0x9060] =	vst v0;
	s7 =	sshra.s32 s8, $0x2;
	s8 =	sadd.s32 $0x200, s8  }
0x1d: {  	[tilespmem:s7+$0x9070] =	vst v0  }
0x1e: {  	[tilespmem:s7+$0x9000] =	vst v0  }
0x1f: {  	[tilespmem:s7+$0x9010] =	vst v0  }
0x20: {  	[tilespmem:s7+$0x9020] =	vst v0  }
0x21: {  	[tilespmem:s7+$0x9030] =	vst v0  }
0x22: {  	[tilespmem:s7+$0x9040] =	vst v0  }
0x23: {  	[tilespmem:s7+$0x9050] =	vst v0  }
0x24: {  	[tilespmem:s7+$0x9060] =	vst v0  }
0x25: {  	[spmem:s5] =	stream.linear.scatter [tilespmem:s30], [sflag:$0x2], $0x1000, $0x38;
	[tilespmem:$0x1E000] =	vst v63  }
0x26: {  	_ =	swait.ge [sflag:s31], $0x1000  }
0x27: {  	[sflag:s31] =	ssyncset.done $0x0  }
0x28: {  	s9 =	rddreg [dreg:$0x7];
	[sflag:s31] =	ssyncadd.s32 $0xFFFFF000  }
0x29: {  	[spmem:s9] =	stream.linear.scatter [tilespmem:s30], [sflag:$0x2], $0x1000, $0x38;
	[tilespmem:$0x1E000] =	vst v63  }
0x2a: {  	_ =	swait.ge [sflag:s31], $0x1000  }
0x2b: {  	[sflag:s31] =	ssyncset.done $0x0  }
0x2c: {  	[sflag:s31] =	ssyncadd.s32 $0xFFFFF000  }
0x2d: {  	[spmem:s11] =	stream.linear.scatter [tilespmem:s30], [sflag:$0x2], $0x1000, $0x38;
	[tilespmem:$0x1E000] =	vst v63  }
0x2e: {  	_ =	swait.ge [sflag:s31], $0x1000  }
0x2f: {  	[sflag:s31] =	ssyncset.done $0x0  }
0x30: {  	[sflag:s31] =	ssyncadd.s32 $0xFFFFF000  }
0x31: {  	[spmem:s12] =	stream.linear.scatter [tilespmem:s30], [sflag:$0x2], $0x1000, $0x38;
	[tilespmem:$0x1E000] =	vst v63  }
0x32: {  	_ =	swait.ge [sflag:s31], $0x1000  }
0x33: {  	[sflag:s31] =	ssyncset.done $0x0  }
0x34: {  	[sflag:s31] =	ssyncadd.s32 $0xFFFFF000  }
0x35: {  	[spmem:s13] =	stream.linear.scatter [tilespmem:s30], [sflag:$0x2], $0x1000, $0x38;
	[tilespmem:$0x1E000] =	vst v63  }
0x36: {  	_ =	swait.ge [sflag:s31], $0x1000  }
0x37: {  	[sflag:s31] =	ssyncset.done $0x0  }
0x38: {  	[sflag:s31] =	ssyncadd.s32 $0xFFFFF000  }
0x39: {  	[spmem:s14] =	stream.linear.scatter [tilespmem:s30], [sflag:$0x2], $0x1000, $0x38;
	[tilespmem:$0x1E000] =	vst v63  }
0x3a: {  	_ =	swait.ge [sflag:s31], $0x1000  }
0x3b: {  	[sflag:s31] =	ssyncset.done $0x0  }
0x3c: {  	[sflag:s31] =	ssyncadd.s32 $0xFFFFF000  }
0x3d: {  	[spmem:s15] =	stream.linear.scatter [tilespmem:s30], [sflag:$0x2], $0x1000, $0x38;
	[tilespmem:$0x1E000] =	vst v63  }
0x3e: {  	_ =	swait.ge [sflag:s31], $0x1000  }
0x3f: {  	[sflag:s31] =	ssyncset.done $0x0  }
0x40: {  	[sflag:s31] =	ssyncadd.s32 $0xFFFFF000  }
0x41: {  	[spmem:s16] =	stream.linear.scatter [tilespmem:s30], [sflag:$0x2], $0x1000, $0x38;
	[tilespmem:$0x1E000] =	vst v63  }
0x42: {  	_ =	swait.ge [sflag:s31], $0x1000  }
0x43: {  	[sflag:s31] =	ssyncset.done $0x0  }
0x44: {  	[sflag:s31] =	ssyncadd.s32 $0xFFFFF000  }
0x45: {  	[spmem:s17] =	stream.linear.scatter [tilespmem:s30], [sflag:$0x2], $0x1000, $0x38;
	[tilespmem:$0x1E000] =	vst v63  }
0x46: {  	_ =	swait.ge [sflag:s31], $0x1000  }
0x47: {  	[sflag:s31] =	ssyncset.done $0x0  }
0x48: {  	[sflag:s31] =	ssyncadd.s32 $0xFFFFF000  }
0x49: {  	[spmem:s18] =	stream.linear.scatter [tilespmem:s30], [sflag:$0x2], $0x1000, $0x38;
	[tilespmem:$0x1E000] =	vst v63  }
0x4a: {  	_ =	swait.ge [sflag:s31], $0x1000  }
0x4b: {  	[sflag:s31] =	ssyncset.done $0x0  }
0x4c: {  	[sflag:s31] =	ssyncadd.s32 $0xFFFFF000  }
0x4d: {  	[spmem:s19] =	stream.linear.scatter [tilespmem:s30], [sflag:$0x2], $0x1000, $0x38;
	[tilespmem:$0x1E000] =	vst v63  }
0x4e: {  	_ =	swait.ge [sflag:s31], $0x1000  }
0x4f: {  	[sflag:s31] =	ssyncset.done $0x0  }
0x50: {  	[sflag:s31] =	ssyncadd.s32 $0xFFFFF000  }
0x51: {  	[spmem:s20] =	stream.linear.scatter [tilespmem:s30], [sflag:$0x2], $0x1000, $0x38;
	[tilespmem:$0x1E000] =	vst v63  }
0x52: {  	_ =	swait.ge [sflag:s31], $0x1000  }
0x53: {  	[sflag:s31] =	ssyncset.done $0x0  }
0x54: {  	[sflag:s31] =	ssyncadd.s32 $0xFFFFF000  }
0x55: {  	[spmem:s21] =	stream.linear.scatter [tilespmem:s30], [sflag:$0x2], $0x1000, $0x38;
	[tilespmem:$0x1E000] =	vst v63  }
0x56: {  	_ =	swait.ge [sflag:s31], $0x1000  }
0x57: {  	[sflag:s31] =	ssyncset.done $0x0  }
0x58: {  	[sflag:s31] =	ssyncadd.s32 $0xFFFFF000  }
0x59: {  	[spmem:s22] =	stream.linear.scatter [tilespmem:s30], [sflag:$0x2], $0x1000, $0x38;
	[tilespmem:$0x1E000] =	vst v63  }
0x5a: {  	_ =	swait.ge [sflag:s31], $0x1000  }
0x5b: {  	[sflag:s31] =	ssyncset.done $0x0  }
0x5c: {  	[sflag:s31] =	ssyncadd.s32 $0xFFFFF000  }
0x5d: {  	[spmem:s23] =	stream.linear.scatter [tilespmem:s30], [sflag:$0x2], $0x1000, $0x38;
	[tilespmem:$0x1E000] =	vst v63  }
0x5e: {  	_ =	swait.ge [sflag:s31], $0x1000  }
0x5f: {  	[sflag:s31] =	ssyncset.done $0x0  }
0x60: {  	[sflag:s31] =	ssyncadd.s32 $0xFFFFF000  }
0x61: {  	[spmem:s24] =	stream.linear.scatter [tilespmem:s30], [sflag:$0x2], $0x1000, $0x38;
	[tilespmem:$0x1E000] =	vst v63  }
0x62: {  	_ =	swait.ge [sflag:s31], $0x1000  }
0x63: {  	[sflag:s31] =	ssyncset.done $0x0  }
0x64: {  	[sflag:s31] =	ssyncadd.s32 $0xFFFFF000  }
0x65: {  	[spmem:s25] =	stream.linear.scatter [tilespmem:s30], [sflag:$0x2], $0x1000, $0x38;
	[tilespmem:$0x1E000] =	vst v63  }
0x66: {  	_ =	swait.ge [sflag:s31], $0x1000  }
0x67: {  	[sflag:s31] =	ssyncset.done $0x0  }
0x68: {  	[sflag:s31] =	ssyncadd.s32 $0xFFFFF000  }
0x69: {  	[spmem:s26] =	stream.linear.scatter [tilespmem:s30], [sflag:$0x2], $0x1000, $0x38;
	[tilespmem:$0x1E000] =	vst v63  }
0x6a: {  	_ =	swait.ge [sflag:s31], $0x1000  }
0x6b: {  	[sflag:s31] =	ssyncset.done $0x0  }
0x6c: {  	[sflag:s31] =	ssyncadd.s32 $0xFFFFF000  }
0x6d: {  	[spmem:s28] =	stream.linear.scatter [tilespmem:s30], [sflag:$0x2], $0x1000, $0x38;
	[tilespmem:$0x1E000] =	vst v63  }
0x6e: {  	_ =	swait.ge [sflag:s31], $0x1000  }
0x6f: {  	[sflag:s31] =	ssyncset.done $0x0  }
0x70: {  	[sflag:s31] =	ssyncadd.s32 $0xFFFFF000  }
0x71: {  	[spmem:s29] =	stream.linear.scatter [tilespmem:s30], [sflag:$0x2], $0x1000, $0x38;
	[tilespmem:$0x1E000] =	vst v63  }
0x72: {  	_ =	swait.ge [sflag:s31], $0x1000  }
0x73: {  	[sflag:s31] =	ssyncset.done $0x0  }
0x74: {  	s7 =	simm.s32 $0x0;
	s8 =	rddreg [dreg:$0x3];
	[sflag:s31] =	ssyncadd.s32 $0xFFFFF000  }
0x75: {  	[tilespmem:s7], [sflag:$0x2] =	stream.linear.gather [hbm4b:s8+s7], $0x2780, $0x38;
	[tilespmem:$0x1E000] =	vst v63  }
0x76: {  	_ =	swait.ge [sflag:s31], $0x2780  }
0x77: {  	[sflag:s31] =	ssyncset.done $0x0  }
0x78: {  	s9 =	simm.s32 $0x2800;
	s10 =	rddreg [dreg:$0x4];
	[sflag:s31] =	ssyncadd.s32 $0xFFFFD880  }
0x79: {  	[tilespmem:s9], [sflag:$0x2] =	stream.linear.gather [hbm4b:s10+s7], $0x2780, $0x38;
	[tilespmem:$0x1E000] =	vst v63  }
0x7a: {  	_ =	swait.ge [sflag:s31], $0x2780  }
0x7b: {  	[sflag:s31] =	ssyncset.done $0x0  }
0x7c: {  	[sflag:s31] =	ssyncadd.s32 $0xFFFFD880  }
0x7d: {  	s9 =	simm.s32 $0x0;
	[bflag:$0x0] =	sbarrier.arrive $0xFFFF  }
0x7e: {  	[tilespmem:s1], [sflag:$0x1] =	stream.indirect.gather [hbm4b:s4+s0], $0x80, s9, s0, $0xb8;
	[tilespmem:$0x1E000] =	vst v63  }
0x7f: {  	_ =	swait.ge [sflag:s6], $0x4000  }
0x80: {  	[sflag:s6] =	ssyncset.done $0x0  }
0x81: {  	s10 =	simm.s32 $0x2800;
	[sflag:s6] =	ssyncadd.s32 $0xFFFFC000  }
0x82: {  	[spmem:s2] =	stream.indirect.scatter.add.f32 [tilespmem:s1], [sflag:$0x2], $0x80, s10, s0, $0xb8;
	[tilespmem:$0x1E000] =	vst v63  }
0x83: {  	_ =	swait.ge [sflag:s31], $0x4000  }
0x84: {  	s8 =	simm.s32 $0x400;
	s7 =	simm.s32 $0x200;
	[sflag:s31] =	ssyncset.done $0x0  }
.LBB2_4:
0x85: {  	s9 =	sshra.s32 s7, $0x2  }
0x86: {  	[sflag:s31] =	ssyncadd.s32 $0xFFFFC000;
	s7 =	smov.u32 s8;
	s10 =	sadd.s32 $0x200, s8  }
0x87: {  	[tilespmem:s1], [sflag:$0x1] =	stream.indirect.gather [hbm4b:s4+s0], $0x80, s9, s0, $0xb8;
	[tilespmem:$0x1E000] =	vst v63  }
0x88: {  	p0 =	sne.s32 s8, $0x9C00;
	_ =	swait.ge [sflag:s6], $0x4000  }
.Ltmp1:
0x89: {  	[sflag:s6] =	ssyncset.done $0x0;
	(pc) =	sbr.rel @p0 .LBB2_4-.Ltmp1, $4  }
0x8a: {  	s8 =	sadd.s32 $0x2800, s9;
	[sflag:s6] =	ssyncadd.s32 $0xFFFFC000  }
0x8b: {  	[spmem:s2] =	stream.indirect.scatter.add.f32 [tilespmem:s1], [sflag:$0x2], $0x80, s8, s0, $0xb8;
	[tilespmem:$0x1E000] =	vst v63  }
0x8c: {  	_ =	swait.ge [sflag:s31], $0x4000  }
0x8d: {  	s8 =	smov.u32 s10;
	[sflag:s31] =	ssyncset.done $0x0  }
0x8e: {  	s7 =	sshra.s32 s7, $0x2;
	[sflag:s31] =	ssyncadd.s32 $0xFFFFC000  }
0x8f: {  	[tilespmem:s1], [sflag:$0x1] =	stream.indirect.gather [hbm4b:s4+s0], $0x80, s7, s0, $0xb8;
	[tilespmem:$0x1E000] =	vst v63  }
0x90: {  	_ =	swait.ge [sflag:s6], $0x4000  }
0x91: {  	[sflag:s6] =	ssyncset.done $0x0  }
0x92: {  	s7 =	sadd.s32 $0x2800, s7;
	[sflag:s6] =	ssyncadd.s32 $0xFFFFC000  }
0x93: {  	[spmem:s2] =	stream.indirect.scatter.add.f32 [tilespmem:s1], [sflag:$0x2], $0x80, s7, s0, $0xb8;
	[tilespmem:$0x1E000] =	vst v63  }
0x94: {  	_ =	swait.ge [sflag:s31], $0x4000  }
0x95: {  	[sflag:s31] =	ssyncset.done $0x0  }
0x96: {  	s9 =	stileid.u32;
	[sflag:s31] =	ssyncadd.s32 $0xFFFFC000  }
0x97: {  	s7 =	sshll.u32 s9, $0x6;
	[bflag:$0x0] =	sbarrier.arrive $0xFFFF  }
0x98: {  	s8 =	sshrl.u32 s5, $0x3;
	s7 =	sor.u32 $0x1C02, s7;
	s9 =	rddreg [dreg:$0x5]  }
0x99: {  	[hbm:s9], [sflag:s7] =	dma.local [spmem:s8], $0x2800  }
0x9a: {  	_ =	swait.ge [sflag:s31], $0x2800  }
0x9b: {  	s3 =	sadd.s32 $0x1, s3;
	s10 =	rddreg [dreg:$0x6]  }
0x9c: {  	p0 =	sne.s32 s3, s10  }
.Ltmp2:
0x9d: {  	_ = 	snop;
	(pc) =	sbr.rel @p0 .LBB2_1-.Ltmp2, $3  }
0x9e: {  	_ =	sdelay $0x1  }
0x9f: {  	[sflag:s31] =	ssyncset.done $0x0  }
0xa0: {  	[sflag:s31] =	ssyncadd.s32 $0xFFFFD800  }
0xa1: {  	_ =	sfence.sel $0x180000  }
0xa2: {  	[bflag:$0x0] =	sbarrier.arrive $0xFFFF  }
0xa3: {  	_ =	strace $0x9000004D  }
0xa4: {  	s0 =	stileid.u32;
	[bflag:$0x2] =	sbarrier.arrive $0xFFFF  }
0xa5: {  	p0 =	sne.s32 s0, $0x0;
	s0 =	rddreg [dreg:$0x2]  }
0xa6: {  	s0 =	sadd.s32 @!p0 $0x100000, s0  }
0xa7: {  	[sflag:s0] =	ssyncadd.tile.s32 @!p0 $0x1;
	_ =	shalt  }
.Lfunc_end2:
_tile_overlayer_lowered:
.L_overlay_start_2:
0xa8: {  	(tag) =	ssettag $0x2  }
0xa9: {  	s0 =	rddreg [dreg:$0x0];
	s2 =	stileid.u32  }
0xaa: {  	s1 =	rddreg [dreg:$0x1];
	p0 =	sne.s32 s2, $0x0  }
0xab: {  	s3 =	rddreg [dreg:$0x2];
	[bflag:$0x3] =	sbarrier.arrive $0xFFFF;
	s2 =	simm.s32 @!p0 $0x1C02  }
0xac: {  	[timem:s3], [sflag:s2] =	dma.local @!p0 [hbm:s0], s1  }
0xad: {  	s0 =	simm.s32 @!p0 $0x2  }
0xae: {  	_ =	swait.ge @!p0 [sflag:s0], s1  }
0xaf: {  	s1 =	ssub.s32 @!p0 $0x0, s1;
	[sflag:s0] =	ssyncset.done @!p0 $0x0  }
0xb0: {  	[sflag:s0] =	ssyncadd.s32 @!p0 s1  }
0xb1: {  	[bflag:$0x3] =	sbarrier.arrive $0xFFFF  }
0xb2: {  	_ =	shalt  }

// kernel: kernel.9.cloned.1.call-start
scs
__scs_entry_jumppad:
0x0: {  	(pc) =	sbr.rel $0x88, $3  }
0x1: {  	(tag) =	ssettag $0x0;
	lr =	simm.s32 $0x1  }
0x2: {  	[smem:$0x3F93] =	sst lr;
	_ =	strace $0xD0000000  }
0x3: {  	_ = 	snop  }
0x4: {  	_ = 	snop  }
0x5: {  	_ = 	snop  }
0x6: {  	_ = 	snop  }
0x7: {  	_ = 	snop  }
__scs_overlays_trampoline_lowered:
0x8: {  	[smem:$0x3FA2] =	sst s0  }
0x9: {  	[smem:$0x3FA3] =	sst s1  }
0xa: {  	[smem:$0x3FA4] =	sst s2  }
0xb: {  	[smem:$0x3FA5] =	sst s3  }
0xc: {  	[smem:$0x3FA6] =	sst s4  }
0xd: {  	[smem:$0x3FA7] =	sst s5  }
0xe: {  	[smem:$0x3FA8] =	sst s6  }
0xf: {  	[smem:$0x3FA9] =	sst s7  }
0x10: {  	[smem:$0x3FAA] =	sst s8  }
0x11: {  	[smem:$0x3FAB] =	sst s9;
	s0 =	simm.s32 @!p0 $0x0  }
0x12: {  	s1 =	sld [smem:$0x3F91];
	s0 =	simm.s32 @p0 $0x1  }
0x13: {  	[smem:$0x3FAC] =	sst s0;
	s0 =	simm.s32 @!p1 $0x0  }
0x14: {  	s2 =	sld [smem:$0x3F90];
	s0 =	simm.s32 @p1 $0x1  }
0x15: {  	[smem:$0x3FAD] =	sst s0;
	s0 =	simm.s32 @!p2 $0x0  }
0x16: {  	s3 =	sld [smem:$0x3FDB];
	s0 =	simm.s32 @p2 $0x1  }
0x17: {  	s4 =	simm.s32 $0x1BF5;
	[smem:$0x3FAF] =	sst s0  }
0x18: {  	s0 =	sld [smem:$0x3F92];
	_ =	swait.ge [sflag:s4], $0x0  }
0x19: {  	s7 =	sld [smem:$0x3F93]  }
0x1a: {  	s8 =	sadd.s32 $0xFFFFE003, lr  }
0x1b: {  	s9 =	sadd.s32 $0xFFFFFEF7, lr;
	s5 =	simm.s32 $0xFFFFFFFF;
	p2 =	slt.u32 s8, $0xFFFFF086  }
0x1c: {  	p1 =	slt.u32 s9, $0xF7A;
	s5 =	simm.s32 @!p2 $0x0  }
0x1d: {  	s5 =	simm.s32 @p1 $0x1;
	p0 =	seq.s32 s7, s2  }
0x1e: {  	s7 =	smul.u32 @!p0 $0xF7A, s2;
	p2 =	seq.s32 @!p0 s5, $0x0  }
0x1f: {  	s9 =	smul.u32 $0xF7A, s1;
	s8 =	simm.s32 @!p0 $0x1BF5;
	p2 =	por !p2, p0  }
0x20: {  	[sflag:s8] =	ssyncset.s32 @!p0 $0xFFFFF086;
	s6 =	sadd.s32 @!p0 s3, s7;
	s7 =	simm.s32 @!p0 $0x108  }
0x21: {  	s3 =	sadd.s32 s3, s9;
	s6 =	sadd.s32 @!p0 $0x88, s6;
	s7 =	simm.s32 @p2 $0x1082  }
0x22: {  	[simem:s7], [sflag:s8] =	dma.local @!p0 [hbm:s6], $0xF7A  }
0x23: {  	s9 =	sor.u32 $0xD0000000, s2;
	s6 =	simm.s32 $0x108;
	_ =	swait.ge @!p0 [sflag:s8], $0x0  }
0x24: {  	s3 =	sadd.s32 $0x88, s3;
	s6 =	simm.s32 @!p1 $0x1082;
	[sflag:s4] =	ssyncset.s32 $0xFFFFF086  }
0x25: {  	[simem:s6], [sflag:s4] =	dma.local [hbm:s3], $0xF7A  }
0x26: {  	[smem:$0x3F93] =	sst s1;
	(tag) =	ssettag s2;
	_ =	strace s9  }
0x27: {  	s1 =	sld [smem:$0x3FA3]  }
0x28: {  	s2 =	sld [smem:$0x3FA4]  }
0x29: {  	s4 =	sld [smem:$0x3FA6]  }
0x2a: {  	p0 =	seq.s32 s5, $0x0;
	s5 =	sld [smem:$0x3FA7]  }
0x2b: {  	s6 =	sld [smem:$0x3FA8]  }
0x2c: {  	s7 =	sld [smem:$0x3FA9]  }
0x2d: {  	s3 =	simm.s32 $0x108;
	s8 =	sld [smem:$0x3FAA]  }
0x2e: {  	s3 =	simm.s32 @!p0 $0x1082;
	s9 =	sld [smem:$0x3FAB]  }
0x2f: {  	lr =	sadd.s32 s0, s3;
	s0 =	sld [smem:$0x3FA2]  }
0x30: {  	s3 =	sld [smem:$0x3FA5]  }
0x31: {  	[smem:$0x3FAE] =	sst s10  }
0x32: {  	s10 =	sld [smem:$0x3FAC];
	_ =	sdelay $0x3  }
0x33: {  	p0 =	seq.s32 s10, $0x1;
	s10 =	sld [smem:$0x3FAE];
	_ =	sdelay $0x3  }
0x34: {  	[smem:$0x3FAE] =	sst s10  }
0x35: {  	s10 =	sld [smem:$0x3FAD];
	_ =	sdelay $0x3  }
0x36: {  	p1 =	seq.s32 s10, $0x1;
	s10 =	sld [smem:$0x3FAE];
	_ =	sdelay $0x3  }
0x37: {  	[smem:$0x3FAE] =	sst s10  }
0x38: {  	s10 =	sld [smem:$0x3FAF]  }
0x39: {  	_ = 	snop;
	(pc) =	sbr.ind lr, $3  }
0x3a: {  	_ = 	snop  }
0x3b: {  	_ = 	snop  }
0x3c: {  	p2 =	seq.s32 s10, $0x1;
	s10 =	sld [smem:$0x3FAE]  }
0x3d: {  	_ =	shalt  }
0x3e: {  	_ =	shalt  }
0x3f: {  	_ =	shalt  }
0x40: {  	_ =	shalt  }
0x41: {  	_ =	shalt  }
0x42: {  	_ =	shalt  }
0x43: {  	_ =	shalt  }
0x44: {  	_ =	shalt  }
0x45: {  	_ =	shalt  }
0x46: {  	_ =	shalt  }
0x47: {  	_ =	shalt  }
0x48: {  	_ =	shalt  }
0x49: {  	_ =	shalt  }
0x4a: {  	_ =	shalt  }
0x4b: {  	_ =	shalt  }
0x4c: {  	_ =	shalt  }
0x4d: {  	_ =	shalt  }
0x4e: {  	_ =	shalt  }
0x4f: {  	_ =	shalt  }
0x50: {  	_ =	shalt  }
0x51: {  	_ =	shalt  }
0x52: {  	_ =	shalt  }
0x53: {  	_ =	shalt  }
0x54: {  	_ =	shalt  }
0x55: {  	_ =	shalt  }
0x56: {  	_ =	shalt  }
0x57: {  	_ =	shalt  }
0x58: {  	_ =	shalt  }
0x59: {  	_ =	shalt  }
0x5a: {  	_ =	shalt  }
0x5b: {  	_ =	shalt  }
0x5c: {  	_ =	shalt  }
0x5d: {  	_ =	shalt  }
0x5e: {  	_ =	shalt  }
0x5f: {  	_ =	shalt  }
0x60: {  	_ =	shalt  }
0x61: {  	_ =	shalt  }
0x62: {  	_ =	shalt  }
0x63: {  	_ =	shalt  }
0x64: {  	_ =	shalt  }
0x65: {  	_ =	shalt  }
0x66: {  	_ =	shalt  }
0x67: {  	_ =	shalt  }
0x68: {  	_ =	shalt  }
0x69: {  	_ =	shalt  }
0x6a: {  	_ =	shalt  }
0x6b: {  	_ =	shalt  }
0x6c: {  	_ =	shalt  }
0x6d: {  	_ =	shalt  }
0x6e: {  	_ =	shalt  }
0x6f: {  	_ =	shalt  }
0x70: {  	_ =	shalt  }
0x71: {  	_ =	shalt  }
0x72: {  	_ =	shalt  }
0x73: {  	_ =	shalt  }
0x74: {  	_ =	shalt  }
0x75: {  	_ =	shalt  }
0x76: {  	_ =	shalt  }
0x77: {  	_ =	shalt  }
0x78: {  	_ =	shalt  }
0x79: {  	_ =	shalt  }
0x7a: {  	_ =	shalt  }
0x7b: {  	_ =	shalt  }
0x7c: {  	_ =	shalt  }
0x7d: {  	_ =	shalt  }
0x7e: {  	_ =	shalt  }
0x7f: {  	_ =	shalt  }
0x80: {  	_ =	shalt  }
0x81: {  	_ =	shalt  }
0x82: {  	_ =	shalt  }
0x83: {  	_ =	shalt  }
0x84: {  	_ =	shalt  }
0x85: {  	_ =	shalt  }
0x86: {  	_ =	shalt  }
0x87: {  	_ =	shalt  }
.Lfunc_end0:
.L_simem_size_0:
called_computation_lowered:
.L_overlay_start_0:
0x88: {  	s2 =	sld [smem:$0x3FD9]  }
0x89: {  	s3 =	sld [smem:$0x3FFE];
	_ =	sdelay $0x1  }
0x8a: {  	s1 =	srdreg.scid  }
0x8b: {  	s0 =	sand.u32 $0x1, s1  }
0x8c: {  	s16 =	sshll.u32 s0, $0xA;
	s2 =	sadd.s32 s3, s2  }
0x8d: {  	s2 =	sadd.s32 s2, s16  }
0x8e: {  	[smem:$0x3FBA] =	sst s2  }
0x8f: {  	_ = 	snop  }
0x90: {  	(tm) =	ssettm $0x1  }
0x91: {  	s17 =	sld [smem:$0x3FFB];
	_ =	sdelay $0x3  }
0x92: {  	_ =	strace s17  }
0x93: {  	s2 =	sld [smem:$0x3FFC];
	_ =	sdelay $0x3  }
0x94: {  	_ =	strace s2  }
0x95: {  	s2 =	sld [smem:$0x3FFD];
	_ =	sdelay $0x3  }
0x96: {  	_ =	strace s2  }
0x97: {  	_ =	strace $0x8FFFFFFF  }
0x98: {  	s18 =	sld [smem:$0x3FDB];
	_ =	sdelay $0x1  }
0x99: {  	s19 =	simm.s32 $_scs_section_size  }
0x9a: {  	s4 =	simm.s32 $_size__tile_overlayer_lowered;
	s5 =	simm.s32 $_tile_overlayer_lowered  }
0x9b: {  	s22 =	simm.s32 $0x1BFF;
	s21 =	sshll.u32 s5, $0x1;
	s2 =	sadd.s32 s19, s18  }
0x9c: {  	s6 =	simm.s32 $0x0;
	s20 =	sshll.u32 s4, $0x1;
	s4 =	sadd.s32 s21, s2  }
0x9d: {  	[timem:s6], [sflag:s22] =	dma.local [hbm:s4], s20  }
0x9e: {  	_ =	swait.ge [sflag:s22], s20  }
0x9f: {  	s3 =	ssub.s32 $0x0, s20;
	[sflag:s22] =	ssyncset.done $0x0  }
0xa0: {  	[sflag:s22] =	ssyncadd.s32 s3;
	_ =	sdelay $0x1  }
0xa1: {  	s23 =	simm.s32 $0x1B8B  }
0xa2: {  	_ =	swait.ge [sflag:s23], $0x1  }
0xa3: {  	[sflag:s23] =	ssyncset.done $0x0  }
0xa4: {  	s25 =	simm.s32 $0x1B8E;
	s24 =	sld [smem:$0x3FFE];
	[sflag:s23] =	ssyncadd.s32 $0xFFFFFFFF  }
0xa5: {  	s26 =	simm.s32 $execute0_lowered;
	[smem:$0x3FD2] =	sst s25  }
0xa6: {  	s4 =	sshll.u32 s26, $0x1;
	_ =	strace $0x80000046;
	[dreg:$0x1] =	wrdreg $0xFFFFFFFF  }
0xa7: {  	s28 =	simm.s32 $_size_execute0_lowered;
	s2 =	sadd.s32 s2, s4;
	[dreg:$0x0] =	wrdreg $0x0  }
0xa8: {  	s4 =	sshll.u32 s28, $0x1;
	[dreg:$0x2] =	wrdreg s2  }
0xa9: {  	[dreg:$0x3] =	wrdreg s4  }
0xaa: {  	[dreg:$0x4] =	wrdreg $0xC0  }
0xab: {  	_ =	task [dreg:s6], $0x5FFFF  }
0xac: {  	[dreg:$0x1] =	wrdreg $0xFFFFFFFF  }
0xad: {  	[dreg:$0x0] =	wrdreg $0x60  }
0xae: {  	[dreg:$0x2] =	wrdreg s24  }
0xaf: {  	[dreg:$0x3] =	wrdreg $0xA0000  }
0xb0: {  	[dreg:$0x4] =	wrdreg $0x9  }
0xb1: {  	_ =	task.clear_ibuf [dreg:s6], $0x5FFFF;
	_ =	strace $0x90000046  }
0xb2: {  	s29 =	simm.s32 $0x9;
	_ =	strace $0x80000048  }
0xb3: {  	_ =	swait.ge [sflag:s29], $0x1  }
0xb4: {  	[sflag:s29] =	ssyncadd.s32 $0xFFFFFFFF  }
0xb5: {  	_ =	strace $0x90000048  }
0xb6: {  	_ =	sfence  }
0xb7: {  	s30 =	sld [smem:$0x0];
	_ =	sdelay $0x2  }
0xb8: {  	s31 =	sshll.u32 s1, $0xD;
	s1 =	sshrl.u32 s1, $0x2  }
0xb9: {  	s3 =	sand.u32 $0x4000, s31;
	s1 =	sadd.s32 s1, s30  }
0xba: {  	s0 =	sor.u32 s3, s0;
	s1 =	sshll.u32 s1, $0x11  }
0xbb: {  	s0 =	sor.u32 s1, s0  }
0xbc: {  	s0 =	sadd.s32 $0x8F2B, s0  }
0xbd: {  	[sflag:s0] =	ssyncadd.remote.s32 $0x1  }
0xbe: {  	_ =	sfence.sel $0xFFFF  }
0xbf: {  	[dreg:$0x0] =	wrdreg $0xFFFFFFFF;
	(pc) =	sbr.abs _section_cstart, $3  }
0xc0: {  	[dreg:$0x1] =	wrdreg $0xFFFFFFFF  }
0xc1: {  	_ =	task.clear_ibuf [dreg:s6], $0x2FFFF;
	_ =	strace $0x9FFFFFFF  }
0xc2: {  	(tm) =	ssettm $0x7FFFFFFF  }
0xc3: {  	_ =	shalt  }
tec
execute0_lowered:
.L_overlay_start_1:
0x0: {  	(tag) =	ssettag $0x1  }
0x1: {  	s0 =	srdreg.scid;
	s1 =	rddreg [dreg:$0x0]  }
0x2: {  	s8 =	stileid.u32;
	s2 =	rddreg [dreg:$0x1];
	s30 =	simm.s32 $0x9000  }
0x3: {  	s31 =	simm.s32 $0x2;
	s0 =	sand.u32 $0x1, s0;
	s7 =	smul.u32 $0x2800, s8  }
0x4: {  	s3 =	sshll.u32 s0, $0x4;
	s6 =	smul.u32 $0x28000, s0;
	s0 =	ssub.s32 $0x2, s0  }
0x5: {  	s4 =	sor.u32 s8, s3;
	s3 =	simm.s32 $0x0;
	s8 =	smul.u32 $0x50000, s8  }
0x6: {  	s22 =	sshrl.u32 s0, $0x1;
	s5 =	smul.u32 $0x500, s4;
	[smem:$0x7FF] =	sst s3  }
0x7: {  	s4 =	sadd.s32 $0x17400, s1;
	s21 =	sadd.s32 s7, s6;
	s0 =	ssub.s32 s0, s22  }
0x8: {  	s6 =	simm.s32 $0x1;
	_ =	strace $0x80000047;
	s23 =	sshrl.u32 s8, $0x2  }
0x9: {  	s0 =	smax.u32 s0, $0x1;
	s9 =	sadd.s32 s5, s1;
	s1 =	sadd.s32 s21, s1  }
0xa: {  	s5 =	sadd.s32 s23, s2;
	[dreg:$0x6] =	wrdreg s0;
	s0 =	simm.s32 $0x80  }
0xb: {  	s24 =	sadd.s32 $0x3400, s9;
	s25 =	sadd.s32 $0xD400, s9;
	s1 =	sadd.s32 $0x3F400, s1  }
0xc: {  	s26 =	sadd.s32 $0x1000, s5;
	s11 =	sadd.s32 $0x2000, s5;
	s12 =	sadd.s32 $0x3000, s5  }
0xd: {  	s13 =	sadd.s32 $0x4000, s5;
	s14 =	sadd.s32 $0x5000, s5;
	s15 =	sadd.s32 $0x6000, s5  }
0xe: {  	s16 =	sadd.s32 $0x7000, s5;
	s17 =	sadd.s32 $0x8000, s5;
	s18 =	sadd.s32 $0x9000, s5  }
0xf: {  	s19 =	sadd.s32 $0xA000, s5;
	s20 =	sadd.s32 $0xB000, s5;
	[dreg:$0x3] =	wrdreg s24  }
0x10: {  	s21 =	sadd.s32 $0xC000, s5;
	s22 =	sadd.s32 $0xD000, s5;
	[dreg:$0x4] =	wrdreg s25  }
0x11: {  	s23 =	sadd.s32 $0xE000, s5;
	s28 =	sadd.s32 $0x12000, s5;
	[dreg:$0x5] =	wrdreg s1  }
0x12: {  	s29 =	sadd.s32 $0x13000, s5;
	[dreg:$0x7] =	wrdreg s26;
	s24 =	sadd.s32 $0xF000, s5  }
0x13: {  	v0 =	vimm.f32 $0.0e+00;
	s25 =	sadd.s32 $0x10000, s5;
	s26 =	sadd.s32 $0x11000, s5;
	s1 =	simm.s32 $0x5000  }
.LBB2_1:
0x14: {  	s7 =	simm.s32 $0x0;
	s8 =	simm.s32 $0x200  }
.LBB2_2:
0x15: {  	p0 =	sne.s32 s8, $0x3E00;
	[tilespmem:s7+$0x9070] =	vst v0  }
0x16: {  	[tilespmem:s7+$0x9000] =	vst v0  }
0x17: {  	[tilespmem:s7+$0x9010] =	vst v0  }
.Ltmp0:
0x18: {  	[tilespmem:s7+$0x9020] =	vst v0;
	(pc) =	sbr.rel @p0 .LBB2_2-.Ltmp0, $4  }
0x19: {  	[tilespmem:s7+$0x9030] =	vst v0  }
0x1a: {  	[tilespmem:s7+$0x9040] =	vst v0  }
0x1b: {  	[tilespmem:s7+$0x9050] =	vst v0  }
0x1c: {  	[tilespmem:s7+$0x9060] =	vst v0;
	s7 =	sshra.s32 s8, $0x2;
	s8 =	sadd.s32 $0x200, s8  }
0x1d: {  	[tilespmem:s7+$0x9070] =	vst v0  }
0x1e: {  	[tilespmem:s7+$0x9000] =	vst v0  }
0x1f: {  	[tilespmem:s7+$0x9010] =	vst v0  }
0x20: {  	[tilespmem:s7+$0x9020] =	vst v0  }
0x21: {  	[tilespmem:s7+$0x9030] =	vst v0  }
0x22: {  	[tilespmem:s7+$0x9040] =	vst v0  }
0x23: {  	[tilespmem:s7+$0x9050] =	vst v0  }
0x24: {  	[tilespmem:s7+$0x9060] =	vst v0  }
0x25: {  	[spmem:s5] =	stream.linear.scatter [tilespmem:s30], [sflag:$0x2], $0x1000, $0x38;
	[tilespmem:$0x1E000] =	vst v63  }
0x26: {  	_ =	swait.ge [sflag:s31], $0x1000  }
0x27: {  	[sflag:s31] =	ssyncset.done $0x0  }
0x28: {  	s9 =	rddreg [dreg:$0x7];
	[sflag:s31] =	ssyncadd.s32 $0xFFFFF000  }
0x29: {  	[spmem:s9] =	stream.linear.scatter [tilespmem:s30], [sflag:$0x2], $0x1000, $0x38;
	[tilespmem:$0x1E000] =	vst v63  }
0x2a: {  	_ =	swait.ge [sflag:s31], $0x1000  }
0x2b: {  	[sflag:s31] =	ssyncset.done $0x0  }
0x2c: {  	[sflag:s31] =	ssyncadd.s32 $0xFFFFF000  }
0x2d: {  	[spmem:s11] =	stream.linear.scatter [tilespmem:s30], [sflag:$0x2], $0x1000, $0x38;
	[tilespmem:$0x1E000] =	vst v63  }
0x2e: {  	_ =	swait.ge [sflag:s31], $0x1000  }
0x2f: {  	[sflag:s31] =	ssyncset.done $0x0  }
0x30: {  	[sflag:s31] =	ssyncadd.s32 $0xFFFFF000  }
0x31: {  	[spmem:s12] =	stream.linear.scatter [tilespmem:s30], [sflag:$0x2], $0x1000, $0x38;
	[tilespmem:$0x1E000] =	vst v63  }
0x32: {  	_ =	swait.ge [sflag:s31], $0x1000  }
0x33: {  	[sflag:s31] =	ssyncset.done $0x0  }
0x34: {  	[sflag:s31] =	ssyncadd.s32 $0xFFFFF000  }
0x35: {  	[spmem:s13] =	stream.linear.scatter [tilespmem:s30], [sflag:$0x2], $0x1000, $0x38;
	[tilespmem:$0x1E000] =	vst v63  }
0x36: {  	_ =	swait.ge [sflag:s31], $0x1000  }
0x37: {  	[sflag:s31] =	ssyncset.done $0x0  }
0x38: {  	[sflag:s31] =	ssyncadd.s32 $0xFFFFF000  }
0x39: {  	[spmem:s14] =	stream.linear.scatter [tilespmem:s30], [sflag:$0x2], $0x1000, $0x38;
	[tilespmem:$0x1E000] =	vst v63  }
0x3a: {  	_ =	swait.ge [sflag:s31], $0x1000  }
0x3b: {  	[sflag:s31] =	ssyncset.done $0x0  }
0x3c: {  	[sflag:s31] =	ssyncadd.s32 $0xFFFFF000  }
0x3d: {  	[spmem:s15] =	stream.linear.scatter [tilespmem:s30], [sflag:$0x2], $0x1000, $0x38;
	[tilespmem:$0x1E000] =	vst v63  }
0x3e: {  	_ =	swait.ge [sflag:s31], $0x1000  }
0x3f: {  	[sflag:s31] =	ssyncset.done $0x0  }
0x40: {  	[sflag:s31] =	ssyncadd.s32 $0xFFFFF000  }
0x41: {  	[spmem:s16] =	stream.linear.scatter [tilespmem:s30], [sflag:$0x2], $0x1000, $0x38;
	[tilespmem:$0x1E000] =	vst v63  }
0x42: {  	_ =	swait.ge [sflag:s31], $0x1000  }
0x43: {  	[sflag:s31] =	ssyncset.done $0x0  }
0x44: {  	[sflag:s31] =	ssyncadd.s32 $0xFFFFF000  }
0x45: {  	[spmem:s17] =	stream.linear.scatter [tilespmem:s30], [sflag:$0x2], $0x1000, $0x38;
	[tilespmem:$0x1E000] =	vst v63  }
0x46: {  	_ =	swait.ge [sflag:s31], $0x1000  }
0x47: {  	[sflag:s31] =	ssyncset.done $0x0  }
0x48: {  	[sflag:s31] =	ssyncadd.s32 $0xFFFFF000  }
0x49: {  	[spmem:s18] =	stream.linear.scatter [tilespmem:s30], [sflag:$0x2], $0x1000, $0x38;
	[tilespmem:$0x1E000] =	vst v63  }
0x4a: {  	_ =	swait.ge [sflag:s31], $0x1000  }
0x4b: {  	[sflag:s31] =	ssyncset.done $0x0  }
0x4c: {  	[sflag:s31] =	ssyncadd.s32 $0xFFFFF000  }
0x4d: {  	[spmem:s19] =	stream.linear.scatter [tilespmem:s30], [sflag:$0x2], $0x1000, $0x38;
	[tilespmem:$0x1E000] =	vst v63  }
0x4e: {  	_ =	swait.ge [sflag:s31], $0x1000  }
0x4f: {  	[sflag:s31] =	ssyncset.done $0x0  }
0x50: {  	[sflag:s31] =	ssyncadd.s32 $0xFFFFF000  }
0x51: {  	[spmem:s20] =	stream.linear.scatter [tilespmem:s30], [sflag:$0x2], $0x1000, $0x38;
	[tilespmem:$0x1E000] =	vst v63  }
0x52: {  	_ =	swait.ge [sflag:s31], $0x1000  }
0x53: {  	[sflag:s31] =	ssyncset.done $0x0  }
0x54: {  	[sflag:s31] =	ssyncadd.s32 $0xFFFFF000  }
0x55: {  	[spmem:s21] =	stream.linear.scatter [tilespmem:s30], [sflag:$0x2], $0x1000, $0x38;
	[tilespmem:$0x1E000] =	vst v63  }
0x56: {  	_ =	swait.ge [sflag:s31], $0x1000  }
0x57: {  	[sflag:s31] =	ssyncset.done $0x0  }
0x58: {  	[sflag:s31] =	ssyncadd.s32 $0xFFFFF000  }
0x59: {  	[spmem:s22] =	stream.linear.scatter [tilespmem:s30], [sflag:$0x2], $0x1000, $0x38;
	[tilespmem:$0x1E000] =	vst v63  }
0x5a: {  	_ =	swait.ge [sflag:s31], $0x1000  }
0x5b: {  	[sflag:s31] =	ssyncset.done $0x0  }
0x5c: {  	[sflag:s31] =	ssyncadd.s32 $0xFFFFF000  }
0x5d: {  	[spmem:s23] =	stream.linear.scatter [tilespmem:s30], [sflag:$0x2], $0x1000, $0x38;
	[tilespmem:$0x1E000] =	vst v63  }
0x5e: {  	_ =	swait.ge [sflag:s31], $0x1000  }
0x5f: {  	[sflag:s31] =	ssyncset.done $0x0  }
0x60: {  	[sflag:s31] =	ssyncadd.s32 $0xFFFFF000  }
0x61: {  	[spmem:s24] =	stream.linear.scatter [tilespmem:s30], [sflag:$0x2], $0x1000, $0x38;
	[tilespmem:$0x1E000] =	vst v63  }
0x62: {  	_ =	swait.ge [sflag:s31], $0x1000  }
0x63: {  	[sflag:s31] =	ssyncset.done $0x0  }
0x64: {  	[sflag:s31] =	ssyncadd.s32 $0xFFFFF000  }
0x65: {  	[spmem:s25] =	stream.linear.scatter [tilespmem:s30], [sflag:$0x2], $0x1000, $0x38;
	[tilespmem:$0x1E000] =	vst v63  }
0x66: {  	_ =	swait.ge [sflag:s31], $0x1000  }
0x67: {  	[sflag:s31] =	ssyncset.done $0x0  }
0x68: {  	[sflag:s31] =	ssyncadd.s32 $0xFFFFF000  }
0x69: {  	[spmem:s26] =	stream.linear.scatter [tilespmem:s30], [sflag:$0x2], $0x1000, $0x38;
	[tilespmem:$0x1E000] =	vst v63  }
0x6a: {  	_ =	swait.ge [sflag:s31], $0x1000  }
0x6b: {  	[sflag:s31] =	ssyncset.done $0x0  }
0x6c: {  	[sflag:s31] =	ssyncadd.s32 $0xFFFFF000  }
0x6d: {  	[spmem:s28] =	stream.linear.scatter [tilespmem:s30], [sflag:$0x2], $0x1000, $0x38;
	[tilespmem:$0x1E000] =	vst v63  }
0x6e: {  	_ =	swait.ge [sflag:s31], $0x1000  }
0x6f: {  	[sflag:s31] =	ssyncset.done $0x0  }
0x70: {  	[sflag:s31] =	ssyncadd.s32 $0xFFFFF000  }
0x71: {  	[spmem:s29] =	stream.linear.scatter [tilespmem:s30], [sflag:$0x2], $0x1000, $0x38;
	[tilespmem:$0x1E000] =	vst v63  }
0x72: {  	_ =	swait.ge [sflag:s31], $0x1000  }
0x73: {  	[sflag:s31] =	ssyncset.done $0x0  }
0x74: {  	s7 =	simm.s32 $0x0;
	s8 =	rddreg [dreg:$0x3];
	[sflag:s31] =	ssyncadd.s32 $0xFFFFF000  }
0x75: {  	[tilespmem:s7], [sflag:$0x2] =	stream.linear.gather [hbm4b:s8+s7], $0x2780, $0x38;
	[tilespmem:$0x1E000] =	vst v63  }
0x76: {  	_ =	swait.ge [sflag:s31], $0x2780  }
0x77: {  	[sflag:s31] =	ssyncset.done $0x0  }
0x78: {  	s9 =	simm.s32 $0x2800;
	s10 =	rddreg [dreg:$0x4];
	[sflag:s31] =	ssyncadd.s32 $0xFFFFD880  }
0x79: {  	[tilespmem:s9], [sflag:$0x2] =	stream.linear.gather [hbm4b:s10+s7], $0x2780, $0x38;
	[tilespmem:$0x1E000] =	vst v63  }
0x7a: {  	_ =	swait.ge [sflag:s31], $0x2780  }
0x7b: {  	[sflag:s31] =	ssyncset.done $0x0  }
0x7c: {  	[sflag:s31] =	ssyncadd.s32 $0xFFFFD880  }
0x7d: {  	s9 =	simm.s32 $0x0;
	[bflag:$0x0] =	sbarrier.arrive $0xFFFF  }
0x7e: {  	[tilespmem:s1], [sflag:$0x1] =	stream.indirect.gather [hbm4b:s4+s0], $0x80, s9, s0, $0xb8;
	[tilespmem:$0x1E000] =	vst v63  }
0x7f: {  	_ =	swait.ge [sflag:s6], $0x4000  }
0x80: {  	[sflag:s6] =	ssyncset.done $0x0  }
0x81: {  	s10 =	simm.s32 $0x2800;
	[sflag:s6] =	ssyncadd.s32 $0xFFFFC000  }
0x82: {  	[spmem:s2] =	stream.indirect.scatter.add.f32 [tilespmem:s1], [sflag:$0x2], $0x80, s10, s0, $0xb8;
	[tilespmem:$0x1E000] =	vst v63  }
0x83: {  	_ =	swait.ge [sflag:s31], $0x4000  }
0x84: {  	s8 =	simm.s32 $0x400;
	s7 =	simm.s32 $0x200;
	[sflag:s31] =	ssyncset.done $0x0  }
.LBB2_4:
0x85: {  	s9 =	sshra.s32 s7, $0x2  }
0x86: {  	[sflag:s31] =	ssyncadd.s32 $0xFFFFC000;
	s7 =	smov.u32 s8;
	s10 =	sadd.s32 $0x200, s8  }
0x87: {  	[tilespmem:s1], [sflag:$0x1] =	stream.indirect.gather [hbm4b:s4+s0], $0x80, s9, s0, $0xb8;
	[tilespmem:$0x1E000] =	vst v63  }
0x88: {  	p0 =	sne.s32 s8, $0x9C00;
	_ =	swait.ge [sflag:s6], $0x4000  }
.Ltmp1:
0x89: {  	[sflag:s6] =	ssyncset.done $0x0;
	(pc) =	sbr.rel @p0 .LBB2_4-.Ltmp1, $4  }
0x8a: {  	s8 =	sadd.s32 $0x2800, s9;
	[sflag:s6] =	ssyncadd.s32 $0xFFFFC000  }
0x8b: {  	[spmem:s2] =	stream.indirect.scatter.add.f32 [tilespmem:s1], [sflag:$0x2], $0x80, s8, s0, $0xb8;
	[tilespmem:$0x1E000] =	vst v63  }
0x8c: {  	_ =	swait.ge [sflag:s31], $0x4000  }
0x8d: {  	s8 =	smov.u32 s10;
	[sflag:s31] =	ssyncset.done $0x0  }
0x8e: {  	s7 =	sshra.s32 s7, $0x2;
	[sflag:s31] =	ssyncadd.s32 $0xFFFFC000  }
0x8f: {  	[tilespmem:s1], [sflag:$0x1] =	stream.indirect.gather [hbm4b:s4+s0], $0x80, s7, s0, $0xb8;
	[tilespmem:$0x1E000] =	vst v63  }
0x90: {  	_ =	swait.ge [sflag:s6], $0x4000  }
0x91: {  	[sflag:s6] =	ssyncset.done $0x0  }
0x92: {  	s7 =	sadd.s32 $0x2800, s7;
	[sflag:s6] =	ssyncadd.s32 $0xFFFFC000  }
0x93: {  	[spmem:s2] =	stream.indirect.scatter.add.f32 [tilespmem:s1], [sflag:$0x2], $0x80, s7, s0, $0xb8;
	[tilespmem:$0x1E000] =	vst v63  }
0x94: {  	_ =	swait.ge [sflag:s31], $0x4000  }
0x95: {  	[sflag:s31] =	ssyncset.done $0x0  }
0x96: {  	s9 =	stileid.u32;
	[sflag:s31] =	ssyncadd.s32 $0xFFFFC000  }
0x97: {  	s7 =	sshll.u32 s9, $0x6;
	[bflag:$0x0] =	sbarrier.arrive $0xFFFF  }
0x98: {  	s8 =	sshrl.u32 s5, $0x3;
	s7 =	sor.u32 $0x1C02, s7;
	s9 =	rddreg [dreg:$0x5]  }
0x99: {  	[hbm:s9], [sflag:s7] =	dma.local [spmem:s8], $0x2800  }
0x9a: {  	_ =	swait.ge [sflag:s31], $0x2800  }
0x9b: {  	s3 =	sadd.s32 $0x1, s3;
	s10 =	rddreg [dreg:$0x6]  }
0x9c: {  	p0 =	sne.s32 s3, s10  }
.Ltmp2:
0x9d: {  	_ = 	snop;
	(pc) =	sbr.rel @p0 .LBB2_1-.Ltmp2, $3  }
0x9e: {  	_ =	sdelay $0x1  }
0x9f: {  	[sflag:s31] =	ssyncset.done $0x0  }
0xa0: {  	[sflag:s31] =	ssyncadd.s32 $0xFFFFD800  }
0xa1: {  	_ =	sfence.sel $0x180000  }
0xa2: {  	[bflag:$0x0] =	sbarrier.arrive $0xFFFF  }
0xa3: {  	_ =	strace $0x90000047  }
0xa4: {  	s0 =	stileid.u32;
	[bflag:$0x2] =	sbarrier.arrive $0xFFFF  }
0xa5: {  	p0 =	sne.s32 s0, $0x0;
	s0 =	rddreg [dreg:$0x2]  }
0xa6: {  	s0 =	sadd.s32 @!p0 $0x100000, s0  }
0xa7: {  	[sflag:s0] =	ssyncadd.tile.s32 @!p0 $0x1;
	_ =	shalt  }
.Lfunc_end2:
_tile_overlayer_lowered:
.L_overlay_start_2:
0xa8: {  	(tag) =	ssettag $0x2  }
0xa9: {  	s0 =	rddreg [dreg:$0x0];
	s2 =	stileid.u32  }
0xaa: {  	s1 =	rddreg [dreg:$0x1];
	p0 =	sne.s32 s2, $0x0  }
0xab: {  	s3 =	rddreg [dreg:$0x2];
	[bflag:$0x3] =	sbarrier.arrive $0xFFFF;
	s2 =	simm.s32 @!p0 $0x1C02  }
0xac: {  	[timem:s3], [sflag:s2] =	dma.local @!p0 [hbm:s0], s1  }
0xad: {  	s0 =	simm.s32 @!p0 $0x2  }
0xae: {  	_ =	swait.ge @!p0 [sflag:s0], s1  }
0xaf: {  	s1 =	ssub.s32 @!p0 $0x0, s1;
	[sflag:s0] =	ssyncset.done @!p0 $0x0  }
0xb0: {  	[sflag:s0] =	ssyncadd.s32 @!p0 s1  }
0xb1: {  	[bflag:$0x3] =	sbarrier.arrive $0xFFFF  }
0xb2: {  	_ =	shalt  }

</sc_bundles>
